<compile_context>
chip_gen: v7x
topology: tpu7x:2x2x1
jax: 0.10.2.dev20260603
libtpu: 0.0.44.dev20260713+nightly
codegen_flags: <defaults>
</compile_context>

<pallas_src>
import functools

import jax
import jax.numpy as jnp
from jax import lax
from jax.experimental import pallas as pl
from jax.experimental.pallas import tpu as pltpu
from jax.experimental.pallas import tpu_sc as plsc

_ETA = 0.01
_L = 16
_NSUB = 16
_G = 16


def _dro_body(n, losses_hbm, weights_hbm, gn_hbm, out_hbm,
              loss_v, gn_v, sa_v, sb_v, part_v, w_v, out_v,
              fold_v, shared, wsem, lsem, gsem):
    sid = lax.axis_index("s")
    chunk = n // _NSUB
    base = sid * chunk

    pltpu.async_copy(losses_hbm.at[pl.ds(base, chunk)], loss_v, lsem)
    pltpu.async_copy(gn_hbm.at[pl.ds(base, chunk)], gn_v, gsem)

    zeros = jnp.zeros((_L,), jnp.float32)

    @pl.when(sid == 0)
    def _init0():
        pltpu.async_copy(weights_hbm, w_v, wsem)

    for r in range(_L):
        sa_v[pl.ds(r * _G, _G)] = zeros
        sb_v[pl.ds(r * _G, _G)] = zeros

    lane_base = jnp.arange(_L, dtype=jnp.int32) * _G
    kpack = jnp.full((_L,), 512.0, jnp.float32)

    pltpu.make_async_copy(losses_hbm.at[pl.ds(base, chunk)], loss_v,
                          lsem).wait()
    pltpu.make_async_copy(gn_hbm.at[pl.ds(base, chunk)], gn_v, gsem).wait()

    def load(i):
        off = pl.multiple_of(i * 2 * _L, 2 * _L)
        lva = loss_v[pl.ds(off, _L)]
        gva = gn_v[pl.ds(off, _L)]
        lvb = loss_v[pl.ds(off + _L, _L)]
        gvb = gn_v[pl.ds(off + _L, _L)]
        return lva + kpack, lane_base + gva, lvb + kpack, lane_base + gvb

    def body(i, carry):
        vala, idxa, valb, idxb = carry
        nxt = load(i + 1)
        plsc.addupdate_scatter(sa_v, [idxa], vala)
        plsc.addupdate_scatter(sb_v, [idxb], valb)
        return nxt

    niter = chunk // (2 * _L)
    vala, idxa, valb, idxb = lax.fori_loop(
        0, niter - 1, body, load(0), unroll=8)
    plsc.addupdate_scatter(sa_v, [idxa], vala)
    plsc.addupdate_scatter(sb_v, [idxb], valb)

    s = jnp.zeros((_G,), jnp.float32)
    c = jnp.zeros((_G,), jnp.float32)
    for r in range(_L):
        row = sa_v[pl.ds(r * _G, _G)] + sb_v[pl.ds(r * _G, _G)]
        cr = (row * (1.0 / 512.0)).astype(jnp.int32).astype(jnp.float32)
        s = s + (row - 512.0 * cr)
        c = c + cr
    part_v[pl.ds(0, _G)] = s
    part_v[pl.ds(_G, _G)] = c

    pltpu.sync_copy(part_v, shared.at[pl.ds(sid * 2 * _G, 2 * _G)])
    plsc.subcore_barrier()

    @pl.when(sid == 0)
    def _epilogue():
        pltpu.sync_copy(shared, fold_v)
        sums = jnp.zeros((_G,), jnp.float32)
        cnts = jnp.zeros((_G,), jnp.float32)
        for t in range(_NSUB):
            sums = sums + fold_v[pl.ds(t * 2 * _G, _G)]
            cnts = cnts + fold_v[pl.ds(t * 2 * _G + _G, _G)]
        pltpu.make_async_copy(weights_hbm, w_v, wsem).wait()
        mean = jnp.where(cnts > 0.0, sums / jnp.maximum(cnts, 1.0), 0.0)
        gw = w_v[...] + _ETA * mean
        m = jnp.max(gw)
        e = jnp.exp(gw - m)
        z = jnp.sum(e)
        res = jnp.sum((e / z) * sums) * (1.0 / n)
        out_v[...] = jnp.full((_G,), res, jnp.float32)
        pltpu.sync_copy(out_v, out_hbm)


def kernel(losses, weights, group_names):
    n = losses.shape[0]
    mesh = plsc.VectorSubcoreMesh(
        core_axis_name="c", subcore_axis_name="s", num_cores=1)
    chunk = n // _NSUB
    run = pl.kernel(
        functools.partial(_dro_body, n),
        out_type=jax.ShapeDtypeStruct((_G,), jnp.float32),
        mesh=mesh,
        scratch_types=[
            pltpu.VMEM((chunk,), jnp.float32),
            pltpu.VMEM((chunk,), jnp.int32),
            pltpu.VMEM((_L * _G,), jnp.float32),
            pltpu.VMEM((_L * _G,), jnp.float32),
            pltpu.VMEM((2 * _G,), jnp.float32),
            pltpu.VMEM((_G,), jnp.float32),
            pltpu.VMEM((_G,), jnp.float32),
            pltpu.VMEM((_NSUB * 2 * _G,), jnp.float32),
            pltpu.MemorySpace.VMEM_SHARED((_NSUB * 2 * _G,), jnp.float32),
            pltpu.SemaphoreType.DMA,
            pltpu.SemaphoreType.DMA,
            pltpu.SemaphoreType.DMA,
        ],
        compiler_params=pltpu.CompilerParams(
            needs_layout_passes=False, skip_device_barrier=True),
    )
    out = run(losses, weights, group_names)
    return out[0]

# --- scband reference (transcript-rebuilt; emitter-appended) ---
"""Pipeline reference for scband-group-droloss-15247133901661 (READ-ONLY COPY).

The authoritative reference and input builder live on the scoring server;
editing this copy changes nothing except your own understanding.
"""

import jax, jax.numpy as jnp
import numpy as np

NUM_GROUPS = 16
ETA = 0.01
N = 32768


def setup_inputs(seed: int = 0) -> dict:
    key = jax.random.key(seed)
    k1, k2 = jax.random.split(key)
    losses = jax.random.uniform(k1, (N,), dtype=jnp.float32)
    group_names = jax.random.randint(k2, (N,), 0, NUM_GROUPS, dtype=jnp.int32)
    weights = jnp.zeros((NUM_GROUPS,), dtype=jnp.float32)
    return {"losses": losses, "weights": weights, "group_names": group_names}


def reference(losses, weights, group_names):
    # losses.detach() -> per-group sum and count (scatter-add / segment_sum)
    det = jax.lax.stop_gradient(losses)
    loss_per_group = jax.ops.segment_sum(det, group_names, num_segments=NUM_GROUPS)
    count_per_group = jax.ops.segment_sum(jnp.ones_like(det), group_names, num_segments=NUM_GROUPS)
    mask = count_per_group > 0
    mean_group_losses = jnp.where(mask, loss_per_group / jnp.maximum(count_per_group, 1.0), 0.0)
    # exponential moving group weights update + log-normalization
    gw = weights + ETA * mean_group_losses
    gw = gw - jax.nn.logsumexp(gw, axis=0)
    # gather per-sample group weight (torch builds this via .item() -> constant, no grad)
    batch_group_weights = jax.lax.stop_gradient(jnp.exp(gw)[group_names])
    weighted_loss = (losses * batch_group_weights).mean()
    return weighted_loss

if __name__ == "__main__":
    import jax
    _d = setup_inputs()
    print(jax.jit(kernel)(*tuple(_d.values())))

</pallas_src>

<mosaic_0001>
#map = affine_map<(d0, d1) -> (0)>
module attributes {stable_mosaic.version = 14 : i64} {
  func.func @_dro_body(%arg0: i32, %arg1: i32, %arg2: memref<32768xf32, #tpu.memory_space<hbm>>, %arg3: memref<16xf32, #tpu.memory_space<hbm>>, %arg4: memref<32768xi32, #tpu.memory_space<hbm>>, %arg5: memref<16xf32, #tpu.memory_space<hbm>>, %arg6: memref<2048xf32, #tpu.memory_space<vmem>>, %arg7: memref<2048xi32, #tpu.memory_space<vmem>>, %arg8: memref<256xf32, #tpu.memory_space<vmem>>, %arg9: memref<256xf32, #tpu.memory_space<vmem>>, %arg10: memref<32xf32, #tpu.memory_space<vmem>>, %arg11: memref<16xf32, #tpu.memory_space<vmem>>, %arg12: memref<16xf32, #tpu.memory_space<vmem>>, %arg13: memref<512xf32, #tpu.memory_space<vmem>>, %arg14: memref<512xf32, #tpu.memory_space<vmem_shared>>, %arg15: memref<!tpu.dma_semaphore, #tpu.memory_space<semaphore_mem>>, %arg16: memref<!tpu.dma_semaphore, #tpu.memory_space<semaphore_mem>>, %arg17: memref<!tpu.dma_semaphore, #tpu.memory_space<semaphore_mem>>) attributes {dimension_semantics = [#tpu.dimension_semantics<core_parallel>, #tpu.dimension_semantics<subcore_parallel>], iteration_bounds = array<i64: 1, 16>, scalar_prefetch = 0 : i64, scratch_operands = 12 : i64, tpu.core_type = #tpu.core_type<sc_vector_subcore>, window_params = [{transform_indices = #map}, {transform_indices = #map}, {transform_indices = #map}, {transform_indices = #map}]} {
    %mul3A = arith.constant 2048 : i32
    %mul3A_0 = arith.muli %arg1, %mul3A : i32
    %dma_start3A = tpu.memref_slice %arg2[%mul3A_0] : memref<32768xf32, #tpu.memory_space<hbm>> -> memref<2048xf32, #tpu.memory_space<hbm>>
    %dma_start3A_1 = tpu.memref_slice %arg2[%mul3A_0] : memref<32768xf32, #tpu.memory_space<hbm>> -> memref<2048xf32, #tpu.memory_space<hbm>>
    tpu.enqueue_dma source(%dma_start3A_1 : memref<2048xf32, #tpu.memory_space<hbm>>) target(%arg6 : memref<2048xf32, #tpu.memory_space<vmem>>) target_semaphore(%arg16 : memref<!tpu.dma_semaphore, #tpu.memory_space<semaphore_mem>>)
    %dma_start3A_2 = tpu.memref_slice %arg4[%mul3A_0] : memref<32768xi32, #tpu.memory_space<hbm>> -> memref<2048xi32, #tpu.memory_space<hbm>>
    %dma_start3A_3 = tpu.memref_slice %arg4[%mul3A_0] : memref<32768xi32, #tpu.memory_space<hbm>> -> memref<2048xi32, #tpu.memory_space<hbm>>
    tpu.enqueue_dma source(%dma_start3A_3 : memref<2048xi32, #tpu.memory_space<hbm>>) target(%arg7 : memref<2048xi32, #tpu.memory_space<vmem>>) target_semaphore(%arg17 : memref<!tpu.dma_semaphore, #tpu.memory_space<semaphore_mem>>)
    %broadcast_in_dim3A = arith.constant 0.000000e+00 : f32
    %broadcast_in_dim3A_4 = vector.broadcast %broadcast_in_dim3A : f32 to vector<16xf32>
    %eq3A = arith.constant 0 : i32
    %eq3A_5 = arith.cmpi eq, %arg1, %eq3A : i32
    %convert_element_type3A = arith.extui %eq3A_5 : i1 to i32
    %cond3A = arith.constant 0 : i32
    %cond3A_6 = arith.cmpi ne, %convert_element_type3A, %cond3A : i32
    scf.if %cond3A_6 {
      tpu.enqueue_dma source(%arg3 : memref<16xf32, #tpu.memory_space<hbm>>) target(%arg11 : memref<16xf32, #tpu.memory_space<vmem>>) target_semaphore(%arg15 : memref<!tpu.dma_semaphore, #tpu.memory_space<semaphore_mem>>)
    } else {
    }
    %swap3A = arith.constant 0 : index
    %swap3A_7 = tpu.vector_load %arg8[%swap3A] {strides = array<i32>} : memref<256xf32, #tpu.memory_space<vmem>>, vector<16xf32>,
    tpu.vector_store %arg8[%swap3A], %broadcast_in_dim3A_4 {strides = array<i32>} : memref<256xf32, #tpu.memory_space<vmem>>, vector<16xf32>,
    %swap3A_8 = arith.constant 0 : index
    %swap3A_9 = tpu.vector_load %arg9[%swap3A_8] {strides = array<i32>} : memref<256xf32, #tpu.memory_space<vmem>>, vector<16xf32>,
    tpu.vector_store %arg9[%swap3A_8], %broadcast_in_dim3A_4 {strides = array<i32>} : memref<256xf32, #tpu.memory_space<vmem>>, vector<16xf32>,
    %swap3A_10 = arith.constant 16 : index
    %swap3A_11 = tpu.vector_load %arg8[%swap3A_10] {strides = array<i32>} : memref<256xf32, #tpu.memory_space<vmem>>, vector<16xf32>,
    tpu.vector_store %arg8[%swap3A_10], %broadcast_in_dim3A_4 {strides = array<i32>} : memref<256xf32, #tpu.memory_space<vmem>>, vector<16xf32>,
    %swap3A_12 = arith.constant 16 : index
    %swap3A_13 = tpu.vector_load %arg9[%swap3A_12] {strides = array<i32>} : memref<256xf32, #tpu.memory_space<vmem>>, vector<16xf32>,
    tpu.vector_store %arg9[%swap3A_12], %broadcast_in_dim3A_4 {strides = array<i32>} : memref<256xf32, #tpu.memory_space<vmem>>, vector<16xf32>,
    %swap3A_14 = arith.constant 32 : index
    %swap3A_15 = tpu.vector_load %arg8[%swap3A_14] {strides = array<i32>} : memref<256xf32, #tpu.memory_space<vmem>>, vector<16xf32>,
    tpu.vector_store %arg8[%swap3A_14], %broadcast_in_dim3A_4 {strides = array<i32>} : memref<256xf32, #tpu.memory_space<vmem>>, vector<16xf32>,
    %swap3A_16 = arith.constant 32 : index
    %swap3A_17 = tpu.vector_load %arg9[%swap3A_16] {strides = array<i32>} : memref<256xf32, #tpu.memory_space<vmem>>, vector<16xf32>,
    tpu.vector_store %arg9[%swap3A_16], %broadcast_in_dim3A_4 {strides = array<i32>} : memref<256xf32, #tpu.memory_space<vmem>>, vector<16xf32>,
    %swap3A_18 = arith.constant 48 : index
    %swap3A_19 = tpu.vector_load %arg8[%swap3A_18] {strides = array<i32>} : memref<256xf32, #tpu.memory_space<vmem>>, vector<16xf32>,
    tpu.vector_store %arg8[%swap3A_18], %broadcast_in_dim3A_4 {strides = array<i32>} : memref<256xf32, #tpu.memory_space<vmem>>, vector<16xf32>,
    %swap3A_20 = arith.constant 48 : index
    %swap3A_21 = tpu.vector_load %arg9[%swap3A_20] {strides = array<i32>} : memref<256xf32, #tpu.memory_space<vmem>>, vector<16xf32>,
    tpu.vector_store %arg9[%swap3A_20], %broadcast_in_dim3A_4 {strides = array<i32>} : memref<256xf32, #tpu.memory_space<vmem>>, vector<16xf32>,
    %swap3A_22 = arith.constant 64 : index
    %swap3A_23 = tpu.vector_load %arg8[%swap3A_22] {strides = array<i32>} : memref<256xf32, #tpu.memory_space<vmem>>, vector<16xf32>,
    tpu.vector_store %arg8[%swap3A_22], %broadcast_in_dim3A_4 {strides = array<i32>} : memref<256xf32, #tpu.memory_space<vmem>>, vector<16xf32>,
    %swap3A_24 = arith.constant 64 : index
    %swap3A_25 = tpu.vector_load %arg9[%swap3A_24] {strides = array<i32>} : memref<256xf32, #tpu.memory_space<vmem>>, vector<16xf32>,
    tpu.vector_store %arg9[%swap3A_24], %broadcast_in_dim3A_4 {strides = array<i32>} : memref<256xf32, #tpu.memory_space<vmem>>, vector<16xf32>,
    %swap3A_26 = arith.constant 80 : index
    %swap3A_27 = tpu.vector_load %arg8[%swap3A_26] {strides = array<i32>} : memref<256xf32, #tpu.memory_space<vmem>>, vector<16xf32>,
    tpu.vector_store %arg8[%swap3A_26], %broadcast_in_dim3A_4 {strides = array<i32>} : memref<256xf32, #tpu.memory_space<vmem>>, vector<16xf32>,
    %swap3A_28 = arith.constant 80 : index
    %swap3A_29 = tpu.vector_load %arg9[%swap3A_28] {strides = array<i32>} : memref<256xf32, #tpu.memory_space<vmem>>, vector<16xf32>,
    tpu.vector_store %arg9[%swap3A_28], %broadcast_in_dim3A_4 {strides = array<i32>} : memref<256xf32, #tpu.memory_space<vmem>>, vector<16xf32>,
    %swap3A_30 = arith.constant 96 : index
    %swap3A_31 = tpu.vector_load %arg8[%swap3A_30] {strides = array<i32>} : memref<256xf32, #tpu.memory_space<vmem>>, vector<16xf32>,
    tpu.vector_store %arg8[%swap3A_30], %broadcast_in_dim3A_4 {strides = array<i32>} : memref<256xf32, #tpu.memory_space<vmem>>, vector<16xf32>,
    %swap3A_32 = arith.constant 96 : index
    %swap3A_33 = tpu.vector_load %arg9[%swap3A_32] {strides = array<i32>} : memref<256xf32, #tpu.memory_space<vmem>>, vector<16xf32>,
    tpu.vector_store %arg9[%swap3A_32], %broadcast_in_dim3A_4 {strides = array<i32>} : memref<256xf32, #tpu.memory_space<vmem>>, vector<16xf32>,
    %swap3A_34 = arith.constant 112 : index
    %swap3A_35 = tpu.vector_load %arg8[%swap3A_34] {strides = array<i32>} : memref<256xf32, #tpu.memory_space<vmem>>, vector<16xf32>,
    tpu.vector_store %arg8[%swap3A_34], %broadcast_in_dim3A_4 {strides = array<i32>} : memref<256xf32, #tpu.memory_space<vmem>>, vector<16xf32>,
    %swap3A_36 = arith.constant 112 : index
    %swap3A_37 = tpu.vector_load %arg9[%swap3A_36] {strides = array<i32>} : memref<256xf32, #tpu.memory_space<vmem>>, vector<16xf32>,
    tpu.vector_store %arg9[%swap3A_36], %broadcast_in_dim3A_4 {strides = array<i32>} : memref<256xf32, #tpu.memory_space<vmem>>, vector<16xf32>,
    %swap3A_38 = arith.constant 128 : index
    %swap3A_39 = tpu.vector_load %arg8[%swap3A_38] {strides = array<i32>} : memref<256xf32, #tpu.memory_space<vmem>>, vector<16xf32>,
    tpu.vector_store %arg8[%swap3A_38], %broadcast_in_dim3A_4 {strides = array<i32>} : memref<256xf32, #tpu.memory_space<vmem>>, vector<16xf32>,
    %swap3A_40 = arith.constant 128 : index
    %swap3A_41 = tpu.vector_load %arg9[%swap3A_40] {strides = array<i32>} : memref<256xf32, #tpu.memory_space<vmem>>, vector<16xf32>,
    tpu.vector_store %arg9[%swap3A_40], %broadcast_in_dim3A_4 {strides = array<i32>} : memref<256xf32, #tpu.memory_space<vmem>>, vector<16xf32>,
    %swap3A_42 = arith.constant 144 : index
    %swap3A_43 = tpu.vector_load %arg8[%swap3A_42] {strides = array<i32>} : memref<256xf32, #tpu.memory_space<vmem>>, vector<16xf32>,
    tpu.vector_store %arg8[%swap3A_42], %broadcast_in_dim3A_4 {strides = array<i32>} : memref<256xf32, #tpu.memory_space<vmem>>, vector<16xf32>,
    %swap3A_44 = arith.constant 144 : index
    %swap3A_45 = tpu.vector_load %arg9[%swap3A_44] {strides = array<i32>} : memref<256xf32, #tpu.memory_space<vmem>>, vector<16xf32>,
    tpu.vector_store %arg9[%swap3A_44], %broadcast_in_dim3A_4 {strides = array<i32>} : memref<256xf32, #tpu.memory_space<vmem>>, vector<16xf32>,
    %swap3A_46 = arith.constant 160 : index
    %swap3A_47 = tpu.vector_load %arg8[%swap3A_46] {strides = array<i32>} : memref<256xf32, #tpu.memory_space<vmem>>, vector<16xf32>,
    tpu.vector_store %arg8[%swap3A_46], %broadcast_in_dim3A_4 {strides = array<i32>} : memref<256xf32, #tpu.memory_space<vmem>>, vector<16xf32>,
    %swap3A_48 = arith.constant 160 : index
    %swap3A_49 = tpu.vector_load %arg9[%swap3A_48] {strides = array<i32>} : memref<256xf32, #tpu.memory_space<vmem>>, vector<16xf32>,
    tpu.vector_store %arg9[%swap3A_48], %broadcast_in_dim3A_4 {strides = array<i32>} : memref<256xf32, #tpu.memory_space<vmem>>, vector<16xf32>,
    %swap3A_50 = arith.constant 176 : index
    %swap3A_51 = tpu.vector_load %arg8[%swap3A_50] {strides = array<i32>} : memref<256xf32, #tpu.memory_space<vmem>>, vector<16xf32>,
    tpu.vector_store %arg8[%swap3A_50], %broadcast_in_dim3A_4 {strides = array<i32>} : memref<256xf32, #tpu.memory_space<vmem>>, vector<16xf32>,
    %swap3A_52 = arith.constant 176 : index
    %swap3A_53 = tpu.vector_load %arg9[%swap3A_52] {strides = array<i32>} : memref<256xf32, #tpu.memory_space<vmem>>, vector<16xf32>,
    tpu.vector_store %arg9[%swap3A_52], %broadcast_in_dim3A_4 {strides = array<i32>} : memref<256xf32, #tpu.memory_space<vmem>>, vector<16xf32>,
    %swap3A_54 = arith.constant 192 : index
    %swap3A_55 = tpu.vector_load %arg8[%swap3A_54] {strides = array<i32>} : memref<256xf32, #tpu.memory_space<vmem>>, vector<16xf32>,
    tpu.vector_store %arg8[%swap3A_54], %broadcast_in_dim3A_4 {strides = array<i32>} : memref<256xf32, #tpu.memory_space<vmem>>, vector<16xf32>,
    %swap3A_56 = arith.constant 192 : index
    %swap3A_57 = tpu.vector_load %arg9[%swap3A_56] {strides = array<i32>} : memref<256xf32, #tpu.memory_space<vmem>>, vector<16xf32>,
    tpu.vector_store %arg9[%swap3A_56], %broadcast_in_dim3A_4 {strides = array<i32>} : memref<256xf32, #tpu.memory_space<vmem>>, vector<16xf32>,
    %swap3A_58 = arith.constant 208 : index
    %swap3A_59 = tpu.vector_load %arg8[%swap3A_58] {strides = array<i32>} : memref<256xf32, #tpu.memory_space<vmem>>, vector<16xf32>,
    tpu.vector_store %arg8[%swap3A_58], %broadcast_in_dim3A_4 {strides = array<i32>} : memref<256xf32, #tpu.memory_space<vmem>>, vector<16xf32>,
    %swap3A_60 = arith.constant 208 : index
    %swap3A_61 = tpu.vector_load %arg9[%swap3A_60] {strides = array<i32>} : memref<256xf32, #tpu.memory_space<vmem>>, vector<16xf32>,
    tpu.vector_store %arg9[%swap3A_60], %broadcast_in_dim3A_4 {strides = array<i32>} : memref<256xf32, #tpu.memory_space<vmem>>, vector<16xf32>,
    %swap3A_62 = arith.constant 224 : index
    %swap3A_63 = tpu.vector_load %arg8[%swap3A_62] {strides = array<i32>} : memref<256xf32, #tpu.memory_space<vmem>>, vector<16xf32>,
    tpu.vector_store %arg8[%swap3A_62], %broadcast_in_dim3A_4 {strides = array<i32>} : memref<256xf32, #tpu.memory_space<vmem>>, vector<16xf32>,
    %swap3A_64 = arith.constant 224 : index
    %swap3A_65 = tpu.vector_load %arg9[%swap3A_64] {strides = array<i32>} : memref<256xf32, #tpu.memory_space<vmem>>, vector<16xf32>,
    tpu.vector_store %arg9[%swap3A_64], %broadcast_in_dim3A_4 {strides = array<i32>} : memref<256xf32, #tpu.memory_space<vmem>>, vector<16xf32>,
    %swap3A_66 = arith.constant 240 : index
    %swap3A_67 = tpu.vector_load %arg8[%swap3A_66] {strides = array<i32>} : memref<256xf32, #tpu.memory_space<vmem>>, vector<16xf32>,
    tpu.vector_store %arg8[%swap3A_66], %broadcast_in_dim3A_4 {strides = array<i32>} : memref<256xf32, #tpu.memory_space<vmem>>, vector<16xf32>,
    %swap3A_68 = arith.constant 240 : index
    %swap3A_69 = tpu.vector_load %arg9[%swap3A_68] {strides = array<i32>} : memref<256xf32, #tpu.memory_space<vmem>>, vector<16xf32>,
    tpu.vector_store %arg9[%swap3A_68], %broadcast_in_dim3A_4 {strides = array<i32>} : memref<256xf32, #tpu.memory_space<vmem>>, vector<16xf32>,
    %iota3A = tpu.iota {dimensions = array<i32: 0>} : vector<16xi32>
    %mul3A_70 = arith.constant 16 : i32
    %mul3A_71 = vector.broadcast %mul3A_70 : i32 to vector<16xi32>
    %mul3A_72 = arith.muli %iota3A, %mul3A_71 : vector<16xi32>
    %broadcast_in_dim3A_73 = arith.constant 5.120000e+02 : f32
    %broadcast_in_dim3A_74 = vector.broadcast %broadcast_in_dim3A_73 : f32 to vector<16xf32>
    %dma_wait3A = tpu.memref_slice %arg2[%mul3A_0] : memref<32768xf32, #tpu.memory_space<hbm>> -> memref<2048xf32, #tpu.memory_space<hbm>>
    %dma_wait3A_75 = tpu.memref_slice %arg2[%mul3A_0] : memref<32768xf32, #tpu.memory_space<hbm>> -> memref<2048xf32, #tpu.memory_space<hbm>>
    tpu.wait_dma2 semaphore(%arg16 : memref<!tpu.dma_semaphore, #tpu.memory_space<semaphore_mem>>) src(%dma_wait3A_75 : memref<2048xf32, #tpu.memory_space<hbm>>) dst(%arg6 : memref<2048xf32, #tpu.memory_space<vmem>>)
    %dma_wait3A_76 = tpu.memref_slice %arg4[%mul3A_0] : memref<32768xi32, #tpu.memory_space<hbm>> -> memref<2048xi32, #tpu.memory_space<hbm>>
    %dma_wait3A_77 = tpu.memref_slice %arg4[%mul3A_0] : memref<32768xi32, #tpu.memory_space<hbm>> -> memref<2048xi32, #tpu.memory_space<hbm>>
    tpu.wait_dma2 semaphore(%arg17 : memref<!tpu.dma_semaphore, #tpu.memory_space<semaphore_mem>>) src(%dma_wait3A_77 : memref<2048xi32, #tpu.memory_space<hbm>>) dst(%arg7 : memref<2048xi32, #tpu.memory_space<vmem>>)
    %multiple_of3A = arith.constant 0 : i32
    %multiple_of3A_78 = tpu.assume_multiple %multiple_of3A, 32 : i32
    %get3A = arith.index_cast %multiple_of3A_78 : i32 to index
    %get3A_79 = tpu.vector_load %arg6[%get3A] {strides = array<i32>} : memref<2048xf32, #tpu.memory_space<vmem>>, vector<16xf32>,
    %get3A_80 = arith.index_cast %multiple_of3A_78 : i32 to index
    %get3A_81 = tpu.vector_load %arg7[%get3A_80] {strides = array<i32>} : memref<2048xi32, #tpu.memory_space<vmem>>, vector<16xi32>,
    %add3A = arith.constant 16 : i32
    %add3A_82 = arith.addi %multiple_of3A_78, %add3A : i32
    %get3A_83 = arith.index_cast %add3A_82 : i32 to index
    %get3A_84 = tpu.vector_load %arg6[%get3A_83] {strides = array<i32>} : memref<2048xf32, #tpu.memory_space<vmem>>, vector<16xf32>,
    %add3A_85 = arith.constant 16 : i32
    %add3A_86 = arith.addi %multiple_of3A_78, %add3A_85 : i32
    %get3A_87 = arith.index_cast %add3A_86 : i32 to index
    %get3A_88 = tpu.vector_load %arg7[%get3A_87] {strides = array<i32>} : memref<2048xi32, #tpu.memory_space<vmem>>, vector<16xi32>,
    %add3A_89 = arith.addf %get3A_79, %broadcast_in_dim3A_74 : vector<16xf32>
    %add3A_90 = arith.addi %mul3A_72, %get3A_81 : vector<16xi32>
    %add3A_91 = arith.addf %get3A_84, %broadcast_in_dim3A_74 : vector<16xf32>
    %add3A_92 = arith.addi %mul3A_72, %get3A_88 : vector<16xi32>
    %scan3A = arith.constant 0 : i32
    %scan3A_93 = arith.constant 56 : i32
    %scan3A_94 = arith.addi %scan3A, %scan3A_93 : i32
    %scan3A_95 = arith.constant 8 : i32
    %scan3A_96:4 = scf.for %scan3A_545 = %scan3A to %scan3A_94 step %scan3A_95 iter_args(%scan3A_546 = %add3A_89, %scan3A_547 = %add3A_90, %scan3A_548 = %add3A_91, %scan3A_549 = %add3A_92) -> (vector<16xf32>, vector<16xi32>, vector<16xf32>, vector<16xi32>)  : i32 {
      %add3A_550 = arith.constant 1 : i32
      %add3A_551 = arith.addi %scan3A_545, %add3A_550 : i32
      %mul3A_552 = arith.constant 2 : i32
      %mul3A_553 = arith.muli %add3A_551, %mul3A_552 : i32
      %mul3A_554 = arith.constant 16 : i32
      %mul3A_555 = arith.muli %mul3A_553, %mul3A_554 : i32
      %multiple_of3A_556 = tpu.assume_multiple %mul3A_555, 32 : i32
      %get3A_557 = arith.index_cast %multiple_of3A_556 : i32 to index
      %get3A_558 = tpu.vector_load %arg6[%get3A_557] {strides = array<i32>} : memref<2048xf32, #tpu.memory_space<vmem>>, vector<16xf32>,
      %get3A_559 = arith.index_cast %multiple_of3A_556 : i32 to index
      %get3A_560 = tpu.vector_load %arg7[%get3A_559] {strides = array<i32>} : memref<2048xi32, #tpu.memory_space<vmem>>, vector<16xi32>,
      %add3A_561 = arith.constant 16 : i32
      %add3A_562 = arith.addi %multiple_of3A_556, %add3A_561 : i32
      %get3A_563 = arith.index_cast %add3A_562 : i32 to index
      %get3A_564 = tpu.vector_load %arg6[%get3A_563] {strides = array<i32>} : memref<2048xf32, #tpu.memory_space<vmem>>, vector<16xf32>,
      %add3A_565 = arith.constant 16 : i32
      %add3A_566 = arith.addi %multiple_of3A_556, %add3A_565 : i32
      %get3A_567 = arith.index_cast %add3A_566 : i32 to index
      %get3A_568 = tpu.vector_load %arg7[%get3A_567] {strides = array<i32>} : memref<2048xi32, #tpu.memory_space<vmem>>, vector<16xi32>,
      %add3A_569 = arith.addf %get3A_558, %broadcast_in_dim3A_74 : vector<16xf32>
      %add3A_570 = arith.addi %mul3A_72, %get3A_560 : vector<16xi32>
      %add3A_571 = arith.addf %get3A_564, %broadcast_in_dim3A_74 : vector<16xf32>
      %add3A_572 = arith.addi %mul3A_72, %get3A_568 : vector<16xi32>
      tpu.vector_store_idx %arg8[%scan3A_547], %scan3A_546 {add = true} : memref<256xf32, #tpu.memory_space<vmem>>[vector<16xi32>], vector<16xf32>,
      tpu.vector_store_idx %arg9[%scan3A_549], %scan3A_548 {add = true} : memref<256xf32, #tpu.memory_space<vmem>>[vector<16xi32>], vector<16xf32>,
      %scan3A_573 = arith.constant 1 : i32
      %scan3A_574 = arith.addi %scan3A_545, %scan3A_573 : i32
      %add3A_575 = arith.constant 1 : i32
      %add3A_576 = arith.addi %scan3A_574, %add3A_575 : i32
      %mul3A_577 = arith.constant 2 : i32
      %mul3A_578 = arith.muli %add3A_576, %mul3A_577 : i32
      %mul3A_579 = arith.constant 16 : i32
      %mul3A_580 = arith.muli %mul3A_578, %mul3A_579 : i32
      %multiple_of3A_581 = tpu.assume_multiple %mul3A_580, 32 : i32
      %get3A_582 = arith.index_cast %multiple_of3A_581 : i32 to index
      %get3A_583 = tpu.vector_load %arg6[%get3A_582] {strides = array<i32>} : memref<2048xf32, #tpu.memory_space<vmem>>, vector<16xf32>,
      %get3A_584 = arith.index_cast %multiple_of3A_581 : i32 to index
      %get3A_585 = tpu.vector_load %arg7[%get3A_584] {strides = array<i32>} : memref<2048xi32, #tpu.memory_space<vmem>>, vector<16xi32>,
      %add3A_586 = arith.constant 16 : i32
      %add3A_587 = arith.addi %multiple_of3A_581, %add3A_586 : i32
      %get3A_588 = arith.index_cast %add3A_587 : i32 to index
      %get3A_589 = tpu.vector_load %arg6[%get3A_588] {strides = array<i32>} : memref<2048xf32, #tpu.memory_space<vmem>>, vector<16xf32>,
      %add3A_590 = arith.constant 16 : i32
      %add3A_591 = arith.addi %multiple_of3A_581, %add3A_590 : i32
      %get3A_592 = arith.index_cast %add3A_591 : i32 to index
      %get3A_593 = tpu.vector_load %arg7[%get3A_592] {strides = array<i32>} : memref<2048xi32, #tpu.memory_space<vmem>>, vector<16xi32>,
      %add3A_594 = arith.addf %get3A_583, %broadcast_in_dim3A_74 : vector<16xf32>
      %add3A_595 = arith.addi %mul3A_72, %get3A_585 : vector<16xi32>
      %add3A_596 = arith.addf %get3A_589, %broadcast_in_dim3A_74 : vector<16xf32>
      %add3A_597 = arith.addi %mul3A_72, %get3A_593 : vector<16xi32>
      tpu.vector_store_idx %arg8[%add3A_570], %add3A_569 {add = true} : memref<256xf32, #tpu.memory_space<vmem>>[vector<16xi32>], vector<16xf32>,
      tpu.vector_store_idx %arg9[%add3A_572], %add3A_571 {add = true} : memref<256xf32, #tpu.memory_space<vmem>>[vector<16xi32>], vector<16xf32>,
      %scan3A_598 = arith.constant 2 : i32
      %scan3A_599 = arith.addi %scan3A_545, %scan3A_598 : i32
      %add3A_600 = arith.constant 1 : i32
      %add3A_601 = arith.addi %scan3A_599, %add3A_600 : i32
      %mul3A_602 = arith.constant 2 : i32
      %mul3A_603 = arith.muli %add3A_601, %mul3A_602 : i32
      %mul3A_604 = arith.constant 16 : i32
      %mul3A_605 = arith.muli %mul3A_603, %mul3A_604 : i32
      %multiple_of3A_606 = tpu.assume_multiple %mul3A_605, 32 : i32
      %get3A_607 = arith.index_cast %multiple_of3A_606 : i32 to index
      %get3A_608 = tpu.vector_load %arg6[%get3A_607] {strides = array<i32>} : memref<2048xf32, #tpu.memory_space<vmem>>, vector<16xf32>,
      %get3A_609 = arith.index_cast %multiple_of3A_606 : i32 to index
      %get3A_610 = tpu.vector_load %arg7[%get3A_609] {strides = array<i32>} : memref<2048xi32, #tpu.memory_space<vmem>>, vector<16xi32>,
      %add3A_611 = arith.constant 16 : i32
      %add3A_612 = arith.addi %multiple_of3A_606, %add3A_611 : i32
      %get3A_613 = arith.index_cast %add3A_612 : i32 to index
      %get3A_614 = tpu.vector_load %arg6[%get3A_613] {strides = array<i32>} : memref<2048xf32, #tpu.memory_space<vmem>>, vector<16xf32>,
      %add3A_615 = arith.constant 16 : i32
      %add3A_616 = arith.addi %multiple_of3A_606, %add3A_615 : i32
      %get3A_617 = arith.index_cast %add3A_616 : i32 to index
      %get3A_618 = tpu.vector_load %arg7[%get3A_617] {strides = array<i32>} : memref<2048xi32, #tpu.memory_space<vmem>>, vector<16xi32>,
      %add3A_619 = arith.addf %get3A_608, %broadcast_in_dim3A_74 : vector<16xf32>
      %add3A_620 = arith.addi %mul3A_72, %get3A_610 : vector<16xi32>
      %add3A_621 = arith.addf %get3A_614, %broadcast_in_dim3A_74 : vector<16xf32>
      %add3A_622 = arith.addi %mul3A_72, %get3A_618 : vector<16xi32>
      tpu.vector_store_idx %arg8[%add3A_595], %add3A_594 {add = true} : memref<256xf32, #tpu.memory_space<vmem>>[vector<16xi32>], vector<16xf32>,
      tpu.vector_store_idx %arg9[%add3A_597], %add3A_596 {add = true} : memref<256xf32, #tpu.memory_space<vmem>>[vector<16xi32>], vector<16xf32>,
      %scan3A_623 = arith.constant 3 : i32
      %scan3A_624 = arith.addi %scan3A_545, %scan3A_623 : i32
      %add3A_625 = arith.constant 1 : i32
      %add3A_626 = arith.addi %scan3A_624, %add3A_625 : i32
      %mul3A_627 = arith.constant 2 : i32
      %mul3A_628 = arith.muli %add3A_626, %mul3A_627 : i32
      %mul3A_629 = arith.constant 16 : i32
      %mul3A_630 = arith.muli %mul3A_628, %mul3A_629 : i32
      %multiple_of3A_631 = tpu.assume_multiple %mul3A_630, 32 : i32
      %get3A_632 = arith.index_cast %multiple_of3A_631 : i32 to index
      %get3A_633 = tpu.vector_load %arg6[%get3A_632] {strides = array<i32>} : memref<2048xf32, #tpu.memory_space<vmem>>, vector<16xf32>,
      %get3A_634 = arith.index_cast %multiple_of3A_631 : i32 to index
      %get3A_635 = tpu.vector_load %arg7[%get3A_634] {strides = array<i32>} : memref<2048xi32, #tpu.memory_space<vmem>>, vector<16xi32>,
      %add3A_636 = arith.constant 16 : i32
      %add3A_637 = arith.addi %multiple_of3A_631, %add3A_636 : i32
      %get3A_638 = arith.index_cast %add3A_637 : i32 to index
      %get3A_639 = tpu.vector_load %arg6[%get3A_638] {strides = array<i32>} : memref<2048xf32, #tpu.memory_space<vmem>>, vector<16xf32>,
      %add3A_640 = arith.constant 16 : i32
      %add3A_641 = arith.addi %multiple_of3A_631, %add3A_640 : i32
      %get3A_642 = arith.index_cast %add3A_641 : i32 to index
      %get3A_643 = tpu.vector_load %arg7[%get3A_642] {strides = array<i32>} : memref<2048xi32, #tpu.memory_space<vmem>>, vector<16xi32>,
      %add3A_644 = arith.addf %get3A_633, %broadcast_in_dim3A_74 : vector<16xf32>
      %add3A_645 = arith.addi %mul3A_72, %get3A_635 : vector<16xi32>
      %add3A_646 = arith.addf %get3A_639, %broadcast_in_dim3A_74 : vector<16xf32>
      %add3A_647 = arith.addi %mul3A_72, %get3A_643 : vector<16xi32>
      tpu.vector_store_idx %arg8[%add3A_620], %add3A_619 {add = true} : memref<256xf32, #tpu.memory_space<vmem>>[vector<16xi32>], vector<16xf32>,
      tpu.vector_store_idx %arg9[%add3A_622], %add3A_621 {add = true} : memref<256xf32, #tpu.memory_space<vmem>>[vector<16xi32>], vector<16xf32>,
      %scan3A_648 = arith.constant 4 : i32
      %scan3A_649 = arith.addi %scan3A_545, %scan3A_648 : i32
      %add3A_650 = arith.constant 1 : i32
      %add3A_651 = arith.addi %scan3A_649, %add3A_650 : i32
      %mul3A_652 = arith.constant 2 : i32
      %mul3A_653 = arith.muli %add3A_651, %mul3A_652 : i32
      %mul3A_654 = arith.constant 16 : i32
      %mul3A_655 = arith.muli %mul3A_653, %mul3A_654 : i32
      %multiple_of3A_656 = tpu.assume_multiple %mul3A_655, 32 : i32
      %get3A_657 = arith.index_cast %multiple_of3A_656 : i32 to index
      %get3A_658 = tpu.vector_load %arg6[%get3A_657] {strides = array<i32>} : memref<2048xf32, #tpu.memory_space<vmem>>, vector<16xf32>,
      %get3A_659 = arith.index_cast %multiple_of3A_656 : i32 to index
      %get3A_660 = tpu.vector_load %arg7[%get3A_659] {strides = array<i32>} : memref<2048xi32, #tpu.memory_space<vmem>>, vector<16xi32>,
      %add3A_661 = arith.constant 16 : i32
      %add3A_662 = arith.addi %multiple_of3A_656, %add3A_661 : i32
      %get3A_663 = arith.index_cast %add3A_662 : i32 to index
      %get3A_664 = tpu.vector_load %arg6[%get3A_663] {strides = array<i32>} : memref<2048xf32, #tpu.memory_space<vmem>>, vector<16xf32>,
      %add3A_665 = arith.constant 16 : i32
      %add3A_666 = arith.addi %multiple_of3A_656, %add3A_665 : i32
      %get3A_667 = arith.index_cast %add3A_666 : i32 to index
      %get3A_668 = tpu.vector_load %arg7[%get3A_667] {strides = array<i32>} : memref<2048xi32, #tpu.memory_space<vmem>>, vector<16xi32>,
      %add3A_669 = arith.addf %get3A_658, %broadcast_in_dim3A_74 : vector<16xf32>
      %add3A_670 = arith.addi %mul3A_72, %get3A_660 : vector<16xi32>
      %add3A_671 = arith.addf %get3A_664, %broadcast_in_dim3A_74 : vector<16xf32>
      %add3A_672 = arith.addi %mul3A_72, %get3A_668 : vector<16xi32>
      tpu.vector_store_idx %arg8[%add3A_645], %add3A_644 {add = true} : memref<256xf32, #tpu.memory_space<vmem>>[vector<16xi32>], vector<16xf32>,
      tpu.vector_store_idx %arg9[%add3A_647], %add3A_646 {add = true} : memref<256xf32, #tpu.memory_space<vmem>>[vector<16xi32>], vector<16xf32>,
      %scan3A_673 = arith.constant 5 : i32
      %scan3A_674 = arith.addi %scan3A_545, %scan3A_673 : i32
      %add3A_675 = arith.constant 1 : i32
      %add3A_676 = arith.addi %scan3A_674, %add3A_675 : i32
      %mul3A_677 = arith.constant 2 : i32
      %mul3A_678 = arith.muli %add3A_676, %mul3A_677 : i32
      %mul3A_679 = arith.constant 16 : i32
      %mul3A_680 = arith.muli %mul3A_678, %mul3A_679 : i32
      %multiple_of3A_681 = tpu.assume_multiple %mul3A_680, 32 : i32
      %get3A_682 = arith.index_cast %multiple_of3A_681 : i32 to index
      %get3A_683 = tpu.vector_load %arg6[%get3A_682] {strides = array<i32>} : memref<2048xf32, #tpu.memory_space<vmem>>, vector<16xf32>,
      %get3A_684 = arith.index_cast %multiple_of3A_681 : i32 to index
      %get3A_685 = tpu.vector_load %arg7[%get3A_684] {strides = array<i32>} : memref<2048xi32, #tpu.memory_space<vmem>>, vector<16xi32>,
      %add3A_686 = arith.constant 16 : i32
      %add3A_687 = arith.addi %multiple_of3A_681, %add3A_686 : i32
      %get3A_688 = arith.index_cast %add3A_687 : i32 to index
      %get3A_689 = tpu.vector_load %arg6[%get3A_688] {strides = array<i32>} : memref<2048xf32, #tpu.memory_space<vmem>>, vector<16xf32>,
      %add3A_690 = arith.constant 16 : i32
      %add3A_691 = arith.addi %multiple_of3A_681, %add3A_690 : i32
      %get3A_692 = arith.index_cast %add3A_691 : i32 to index
      %get3A_693 = tpu.vector_load %arg7[%get3A_692] {strides = array<i32>} : memref<2048xi32, #tpu.memory_space<vmem>>, vector<16xi32>,
      %add3A_694 = arith.addf %get3A_683, %broadcast_in_dim3A_74 : vector<16xf32>
      %add3A_695 = arith.addi %mul3A_72, %get3A_685 : vector<16xi32>
      %add3A_696 = arith.addf %get3A_689, %broadcast_in_dim3A_74 : vector<16xf32>
      %add3A_697 = arith.addi %mul3A_72, %get3A_693 : vector<16xi32>
      tpu.vector_store_idx %arg8[%add3A_670], %add3A_669 {add = true} : memref<256xf32, #tpu.memory_space<vmem>>[vector<16xi32>], vector<16xf32>,
      tpu.vector_store_idx %arg9[%add3A_672], %add3A_671 {add = true} : memref<256xf32, #tpu.memory_space<vmem>>[vector<16xi32>], vector<16xf32>,
      %scan3A_698 = arith.constant 6 : i32
      %scan3A_699 = arith.addi %scan3A_545, %scan3A_698 : i32
      %add3A_700 = arith.constant 1 : i32
      %add3A_701 = arith.addi %scan3A_699, %add3A_700 : i32
      %mul3A_702 = arith.constant 2 : i32
      %mul3A_703 = arith.muli %add3A_701, %mul3A_702 : i32
      %mul3A_704 = arith.constant 16 : i32
      %mul3A_705 = arith.muli %mul3A_703, %mul3A_704 : i32
      %multiple_of3A_706 = tpu.assume_multiple %mul3A_705, 32 : i32
      %get3A_707 = arith.index_cast %multiple_of3A_706 : i32 to index
      %get3A_708 = tpu.vector_load %arg6[%get3A_707] {strides = array<i32>} : memref<2048xf32, #tpu.memory_space<vmem>>, vector<16xf32>,
      %get3A_709 = arith.index_cast %multiple_of3A_706 : i32 to index
      %get3A_710 = tpu.vector_load %arg7[%get3A_709] {strides = array<i32>} : memref<2048xi32, #tpu.memory_space<vmem>>, vector<16xi32>,
      %add3A_711 = arith.constant 16 : i32
      %add3A_712 = arith.addi %multiple_of3A_706, %add3A_711 : i32
      %get3A_713 = arith.index_cast %add3A_712 : i32 to index
      %get3A_714 = tpu.vector_load %arg6[%get3A_713] {strides = array<i32>} : memref<2048xf32, #tpu.memory_space<vmem>>, vector<16xf32>,
      %add3A_715 = arith.constant 16 : i32
      %add3A_716 = arith.addi %multiple_of3A_706, %add3A_715 : i32
      %get3A_717 = arith.index_cast %add3A_716 : i32 to index
      %get3A_718 = tpu.vector_load %arg7[%get3A_717] {strides = array<i32>} : memref<2048xi32, #tpu.memory_space<vmem>>, vector<16xi32>,
      %add3A_719 = arith.addf %get3A_708, %broadcast_in_dim3A_74 : vector<16xf32>
      %add3A_720 = arith.addi %mul3A_72, %get3A_710 : vector<16xi32>
      %add3A_721 = arith.addf %get3A_714, %broadcast_in_dim3A_74 : vector<16xf32>
      %add3A_722 = arith.addi %mul3A_72, %get3A_718 : vector<16xi32>
      tpu.vector_store_idx %arg8[%add3A_695], %add3A_694 {add = true} : memref<256xf32, #tpu.memory_space<vmem>>[vector<16xi32>], vector<16xf32>,
      tpu.vector_store_idx %arg9[%add3A_697], %add3A_696 {add = true} : memref<256xf32, #tpu.memory_space<vmem>>[vector<16xi32>], vector<16xf32>,
      %scan3A_723 = arith.constant 7 : i32
      %scan3A_724 = arith.addi %scan3A_545, %scan3A_723 : i32
      %add3A_725 = arith.constant 1 : i32
      %add3A_726 = arith.addi %scan3A_724, %add3A_725 : i32
      %mul3A_727 = arith.constant 2 : i32
      %mul3A_728 = arith.muli %add3A_726, %mul3A_727 : i32
      %mul3A_729 = arith.constant 16 : i32
      %mul3A_730 = arith.muli %mul3A_728, %mul3A_729 : i32
      %multiple_of3A_731 = tpu.assume_multiple %mul3A_730, 32 : i32
      %get3A_732 = arith.index_cast %multiple_of3A_731 : i32 to index
      %get3A_733 = tpu.vector_load %arg6[%get3A_732] {strides = array<i32>} : memref<2048xf32, #tpu.memory_space<vmem>>, vector<16xf32>,
      %get3A_734 = arith.index_cast %multiple_of3A_731 : i32 to index
      %get3A_735 = tpu.vector_load %arg7[%get3A_734] {strides = array<i32>} : memref<2048xi32, #tpu.memory_space<vmem>>, vector<16xi32>,
      %add3A_736 = arith.constant 16 : i32
      %add3A_737 = arith.addi %multiple_of3A_731, %add3A_736 : i32
      %get3A_738 = arith.index_cast %add3A_737 : i32 to index
      %get3A_739 = tpu.vector_load %arg6[%get3A_738] {strides = array<i32>} : memref<2048xf32, #tpu.memory_space<vmem>>, vector<16xf32>,
      %add3A_740 = arith.constant 16 : i32
      %add3A_741 = arith.addi %multiple_of3A_731, %add3A_740 : i32
      %get3A_742 = arith.index_cast %add3A_741 : i32 to index
      %get3A_743 = tpu.vector_load %arg7[%get3A_742] {strides = array<i32>} : memref<2048xi32, #tpu.memory_space<vmem>>, vector<16xi32>,
      %add3A_744 = arith.addf %get3A_733, %broadcast_in_dim3A_74 : vector<16xf32>
      %add3A_745 = arith.addi %mul3A_72, %get3A_735 : vector<16xi32>
      %add3A_746 = arith.addf %get3A_739, %broadcast_in_dim3A_74 : vector<16xf32>
      %add3A_747 = arith.addi %mul3A_72, %get3A_743 : vector<16xi32>
      tpu.vector_store_idx %arg8[%add3A_720], %add3A_719 {add = true} : memref<256xf32, #tpu.memory_space<vmem>>[vector<16xi32>], vector<16xf32>,
      tpu.vector_store_idx %arg9[%add3A_722], %add3A_721 {add = true} : memref<256xf32, #tpu.memory_space<vmem>>[vector<16xi32>], vector<16xf32>,
      scf.yield %add3A_744, %add3A_745, %add3A_746, %add3A_747 : vector<16xf32>, vector<16xi32>, vector<16xf32>, vector<16xi32>
    }
    %scan3A_97 = arith.constant 56 : i32
    %scan3A_98 = arith.addi %scan3A, %scan3A_97 : i32
    %add3A_99 = arith.constant 1 : i32
    %add3A_100 = arith.addi %scan3A_98, %add3A_99 : i32
    %mul3A_101 = arith.constant 2 : i32
    %mul3A_102 = arith.muli %add3A_100, %mul3A_101 : i32
    %mul3A_103 = arith.constant 16 : i32
    %mul3A_104 = arith.muli %mul3A_102, %mul3A_103 : i32
    %multiple_of3A_105 = tpu.assume_multiple %mul3A_104, 32 : i32
    %get3A_106 = arith.index_cast %multiple_of3A_105 : i32 to index
    %get3A_107 = tpu.vector_load %arg6[%get3A_106] {strides = array<i32>} : memref<2048xf32, #tpu.memory_space<vmem>>, vector<16xf32>,
    %get3A_108 = arith.index_cast %multiple_of3A_105 : i32 to index
    %get3A_109 = tpu.vector_load %arg7[%get3A_108] {strides = array<i32>} : memref<2048xi32, #tpu.memory_space<vmem>>, vector<16xi32>,
    %add3A_110 = arith.constant 16 : i32
    %add3A_111 = arith.addi %multiple_of3A_105, %add3A_110 : i32
    %get3A_112 = arith.index_cast %add3A_111 : i32 to index
    %get3A_113 = tpu.vector_load %arg6[%get3A_112] {strides = array<i32>} : memref<2048xf32, #tpu.memory_space<vmem>>, vector<16xf32>,
    %add3A_114 = arith.constant 16 : i32
    %add3A_115 = arith.addi %multiple_of3A_105, %add3A_114 : i32
    %get3A_116 = arith.index_cast %add3A_115 : i32 to index
    %get3A_117 = tpu.vector_load %arg7[%get3A_116] {strides = array<i32>} : memref<2048xi32, #tpu.memory_space<vmem>>, vector<16xi32>,
    %add3A_118 = arith.addf %get3A_107, %broadcast_in_dim3A_74 : vector<16xf32>
    %add3A_119 = arith.addi %mul3A_72, %get3A_109 : vector<16xi32>
    %add3A_120 = arith.addf %get3A_113, %broadcast_in_dim3A_74 : vector<16xf32>
    %add3A_121 = arith.addi %mul3A_72, %get3A_117 : vector<16xi32>
    tpu.vector_store_idx %arg8[%scan3A_96#1], %scan3A_96#0 {add = true} : memref<256xf32, #tpu.memory_space<vmem>>[vector<16xi32>], vector<16xf32>,
    tpu.vector_store_idx %arg9[%scan3A_96#3], %scan3A_96#2 {add = true} : memref<256xf32, #tpu.memory_space<vmem>>[vector<16xi32>], vector<16xf32>,
    %scan3A_122 = arith.constant 57 : i32
    %scan3A_123 = arith.addi %scan3A, %scan3A_122 : i32
    %add3A_124 = arith.constant 1 : i32
    %add3A_125 = arith.addi %scan3A_123, %add3A_124 : i32
    %mul3A_126 = arith.constant 2 : i32
    %mul3A_127 = arith.muli %add3A_125, %mul3A_126 : i32
    %mul3A_128 = arith.constant 16 : i32
    %mul3A_129 = arith.muli %mul3A_127, %mul3A_128 : i32
    %multiple_of3A_130 = tpu.assume_multiple %mul3A_129, 32 : i32
    %get3A_131 = arith.index_cast %multiple_of3A_130 : i32 to index
    %get3A_132 = tpu.vector_load %arg6[%get3A_131] {strides = array<i32>} : memref<2048xf32, #tpu.memory_space<vmem>>, vector<16xf32>,
    %get3A_133 = arith.index_cast %multiple_of3A_130 : i32 to index
    %get3A_134 = tpu.vector_load %arg7[%get3A_133] {strides = array<i32>} : memref<2048xi32, #tpu.memory_space<vmem>>, vector<16xi32>,
    %add3A_135 = arith.constant 16 : i32
    %add3A_136 = arith.addi %multiple_of3A_130, %add3A_135 : i32
    %get3A_137 = arith.index_cast %add3A_136 : i32 to index
    %get3A_138 = tpu.vector_load %arg6[%get3A_137] {strides = array<i32>} : memref<2048xf32, #tpu.memory_space<vmem>>, vector<16xf32>,
    %add3A_139 = arith.constant 16 : i32
    %add3A_140 = arith.addi %multiple_of3A_130, %add3A_139 : i32
    %get3A_141 = arith.index_cast %add3A_140 : i32 to index
    %get3A_142 = tpu.vector_load %arg7[%get3A_141] {strides = array<i32>} : memref<2048xi32, #tpu.memory_space<vmem>>, vector<16xi32>,
    %add3A_143 = arith.addf %get3A_132, %broadcast_in_dim3A_74 : vector<16xf32>
    %add3A_144 = arith.addi %mul3A_72, %get3A_134 : vector<16xi32>
    %add3A_145 = arith.addf %get3A_138, %broadcast_in_dim3A_74 : vector<16xf32>
    %add3A_146 = arith.addi %mul3A_72, %get3A_142 : vector<16xi32>
    tpu.vector_store_idx %arg8[%add3A_119], %add3A_118 {add = true} : memref<256xf32, #tpu.memory_space<vmem>>[vector<16xi32>], vector<16xf32>,
    tpu.vector_store_idx %arg9[%add3A_121], %add3A_120 {add = true} : memref<256xf32, #tpu.memory_space<vmem>>[vector<16xi32>], vector<16xf32>,
    %scan3A_147 = arith.constant 58 : i32
    %scan3A_148 = arith.addi %scan3A, %scan3A_147 : i32
    %add3A_149 = arith.constant 1 : i32
    %add3A_150 = arith.addi %scan3A_148, %add3A_149 : i32
    %mul3A_151 = arith.constant 2 : i32
    %mul3A_152 = arith.muli %add3A_150, %mul3A_151 : i32
    %mul3A_153 = arith.constant 16 : i32
    %mul3A_154 = arith.muli %mul3A_152, %mul3A_153 : i32
    %multiple_of3A_155 = tpu.assume_multiple %mul3A_154, 32 : i32
    %get3A_156 = arith.index_cast %multiple_of3A_155 : i32 to index
    %get3A_157 = tpu.vector_load %arg6[%get3A_156] {strides = array<i32>} : memref<2048xf32, #tpu.memory_space<vmem>>, vector<16xf32>,
    %get3A_158 = arith.index_cast %multiple_of3A_155 : i32 to index
    %get3A_159 = tpu.vector_load %arg7[%get3A_158] {strides = array<i32>} : memref<2048xi32, #tpu.memory_space<vmem>>, vector<16xi32>,
    %add3A_160 = arith.constant 16 : i32
    %add3A_161 = arith.addi %multiple_of3A_155, %add3A_160 : i32
    %get3A_162 = arith.index_cast %add3A_161 : i32 to index
    %get3A_163 = tpu.vector_load %arg6[%get3A_162] {strides = array<i32>} : memref<2048xf32, #tpu.memory_space<vmem>>, vector<16xf32>,
    %add3A_164 = arith.constant 16 : i32
    %add3A_165 = arith.addi %multiple_of3A_155, %add3A_164 : i32
    %get3A_166 = arith.index_cast %add3A_165 : i32 to index
    %get3A_167 = tpu.vector_load %arg7[%get3A_166] {strides = array<i32>} : memref<2048xi32, #tpu.memory_space<vmem>>, vector<16xi32>,
    %add3A_168 = arith.addf %get3A_157, %broadcast_in_dim3A_74 : vector<16xf32>
    %add3A_169 = arith.addi %mul3A_72, %get3A_159 : vector<16xi32>
    %add3A_170 = arith.addf %get3A_163, %broadcast_in_dim3A_74 : vector<16xf32>
    %add3A_171 = arith.addi %mul3A_72, %get3A_167 : vector<16xi32>
    tpu.vector_store_idx %arg8[%add3A_144], %add3A_143 {add = true} : memref<256xf32, #tpu.memory_space<vmem>>[vector<16xi32>], vector<16xf32>,
    tpu.vector_store_idx %arg9[%add3A_146], %add3A_145 {add = true} : memref<256xf32, #tpu.memory_space<vmem>>[vector<16xi32>], vector<16xf32>,
    %scan3A_172 = arith.constant 59 : i32
    %scan3A_173 = arith.addi %scan3A, %scan3A_172 : i32
    %add3A_174 = arith.constant 1 : i32
    %add3A_175 = arith.addi %scan3A_173, %add3A_174 : i32
    %mul3A_176 = arith.constant 2 : i32
    %mul3A_177 = arith.muli %add3A_175, %mul3A_176 : i32
    %mul3A_178 = arith.constant 16 : i32
    %mul3A_179 = arith.muli %mul3A_177, %mul3A_178 : i32
    %multiple_of3A_180 = tpu.assume_multiple %mul3A_179, 32 : i32
    %get3A_181 = arith.index_cast %multiple_of3A_180 : i32 to index
    %get3A_182 = tpu.vector_load %arg6[%get3A_181] {strides = array<i32>} : memref<2048xf32, #tpu.memory_space<vmem>>, vector<16xf32>,
    %get3A_183 = arith.index_cast %multiple_of3A_180 : i32 to index
    %get3A_184 = tpu.vector_load %arg7[%get3A_183] {strides = array<i32>} : memref<2048xi32, #tpu.memory_space<vmem>>, vector<16xi32>,
    %add3A_185 = arith.constant 16 : i32
    %add3A_186 = arith.addi %multiple_of3A_180, %add3A_185 : i32
    %get3A_187 = arith.index_cast %add3A_186 : i32 to index
    %get3A_188 = tpu.vector_load %arg6[%get3A_187] {strides = array<i32>} : memref<2048xf32, #tpu.memory_space<vmem>>, vector<16xf32>,
    %add3A_189 = arith.constant 16 : i32
    %add3A_190 = arith.addi %multiple_of3A_180, %add3A_189 : i32
    %get3A_191 = arith.index_cast %add3A_190 : i32 to index
    %get3A_192 = tpu.vector_load %arg7[%get3A_191] {strides = array<i32>} : memref<2048xi32, #tpu.memory_space<vmem>>, vector<16xi32>,
    %add3A_193 = arith.addf %get3A_182, %broadcast_in_dim3A_74 : vector<16xf32>
    %add3A_194 = arith.addi %mul3A_72, %get3A_184 : vector<16xi32>
    %add3A_195 = arith.addf %get3A_188, %broadcast_in_dim3A_74 : vector<16xf32>
    %add3A_196 = arith.addi %mul3A_72, %get3A_192 : vector<16xi32>
    tpu.vector_store_idx %arg8[%add3A_169], %add3A_168 {add = true} : memref<256xf32, #tpu.memory_space<vmem>>[vector<16xi32>], vector<16xf32>,
    tpu.vector_store_idx %arg9[%add3A_171], %add3A_170 {add = true} : memref<256xf32, #tpu.memory_space<vmem>>[vector<16xi32>], vector<16xf32>,
    %scan3A_197 = arith.constant 60 : i32
    %scan3A_198 = arith.addi %scan3A, %scan3A_197 : i32
    %add3A_199 = arith.constant 1 : i32
    %add3A_200 = arith.addi %scan3A_198, %add3A_199 : i32
    %mul3A_201 = arith.constant 2 : i32
    %mul3A_202 = arith.muli %add3A_200, %mul3A_201 : i32
    %mul3A_203 = arith.constant 16 : i32
    %mul3A_204 = arith.muli %mul3A_202, %mul3A_203 : i32
    %multiple_of3A_205 = tpu.assume_multiple %mul3A_204, 32 : i32
    %get3A_206 = arith.index_cast %multiple_of3A_205 : i32 to index
    %get3A_207 = tpu.vector_load %arg6[%get3A_206] {strides = array<i32>} : memref<2048xf32, #tpu.memory_space<vmem>>, vector<16xf32>,
    %get3A_208 = arith.index_cast %multiple_of3A_205 : i32 to index
    %get3A_209 = tpu.vector_load %arg7[%get3A_208] {strides = array<i32>} : memref<2048xi32, #tpu.memory_space<vmem>>, vector<16xi32>,
    %add3A_210 = arith.constant 16 : i32
    %add3A_211 = arith.addi %multiple_of3A_205, %add3A_210 : i32
    %get3A_212 = arith.index_cast %add3A_211 : i32 to index
    %get3A_213 = tpu.vector_load %arg6[%get3A_212] {strides = array<i32>} : memref<2048xf32, #tpu.memory_space<vmem>>, vector<16xf32>,
    %add3A_214 = arith.constant 16 : i32
    %add3A_215 = arith.addi %multiple_of3A_205, %add3A_214 : i32
    %get3A_216 = arith.index_cast %add3A_215 : i32 to index
    %get3A_217 = tpu.vector_load %arg7[%get3A_216] {strides = array<i32>} : memref<2048xi32, #tpu.memory_space<vmem>>, vector<16xi32>,
    %add3A_218 = arith.addf %get3A_207, %broadcast_in_dim3A_74 : vector<16xf32>
    %add3A_219 = arith.addi %mul3A_72, %get3A_209 : vector<16xi32>
    %add3A_220 = arith.addf %get3A_213, %broadcast_in_dim3A_74 : vector<16xf32>
    %add3A_221 = arith.addi %mul3A_72, %get3A_217 : vector<16xi32>
    tpu.vector_store_idx %arg8[%add3A_194], %add3A_193 {add = true} : memref<256xf32, #tpu.memory_space<vmem>>[vector<16xi32>], vector<16xf32>,
    tpu.vector_store_idx %arg9[%add3A_196], %add3A_195 {add = true} : memref<256xf32, #tpu.memory_space<vmem>>[vector<16xi32>], vector<16xf32>,
    %scan3A_222 = arith.constant 61 : i32
    %scan3A_223 = arith.addi %scan3A, %scan3A_222 : i32
    %add3A_224 = arith.constant 1 : i32
    %add3A_225 = arith.addi %scan3A_223, %add3A_224 : i32
    %mul3A_226 = arith.constant 2 : i32
    %mul3A_227 = arith.muli %add3A_225, %mul3A_226 : i32
    %mul3A_228 = arith.constant 16 : i32
    %mul3A_229 = arith.muli %mul3A_227, %mul3A_228 : i32
    %multiple_of3A_230 = tpu.assume_multiple %mul3A_229, 32 : i32
    %get3A_231 = arith.index_cast %multiple_of3A_230 : i32 to index
    %get3A_232 = tpu.vector_load %arg6[%get3A_231] {strides = array<i32>} : memref<2048xf32, #tpu.memory_space<vmem>>, vector<16xf32>,
    %get3A_233 = arith.index_cast %multiple_of3A_230 : i32 to index
    %get3A_234 = tpu.vector_load %arg7[%get3A_233] {strides = array<i32>} : memref<2048xi32, #tpu.memory_space<vmem>>, vector<16xi32>,
    %add3A_235 = arith.constant 16 : i32
    %add3A_236 = arith.addi %multiple_of3A_230, %add3A_235 : i32
    %get3A_237 = arith.index_cast %add3A_236 : i32 to index
    %get3A_238 = tpu.vector_load %arg6[%get3A_237] {strides = array<i32>} : memref<2048xf32, #tpu.memory_space<vmem>>, vector<16xf32>,
    %add3A_239 = arith.constant 16 : i32
    %add3A_240 = arith.addi %multiple_of3A_230, %add3A_239 : i32
    %get3A_241 = arith.index_cast %add3A_240 : i32 to index
    %get3A_242 = tpu.vector_load %arg7[%get3A_241] {strides = array<i32>} : memref<2048xi32, #tpu.memory_space<vmem>>, vector<16xi32>,
    %add3A_243 = arith.addf %get3A_232, %broadcast_in_dim3A_74 : vector<16xf32>
    %add3A_244 = arith.addi %mul3A_72, %get3A_234 : vector<16xi32>
    %add3A_245 = arith.addf %get3A_238, %broadcast_in_dim3A_74 : vector<16xf32>
    %add3A_246 = arith.addi %mul3A_72, %get3A_242 : vector<16xi32>
    tpu.vector_store_idx %arg8[%add3A_219], %add3A_218 {add = true} : memref<256xf32, #tpu.memory_space<vmem>>[vector<16xi32>], vector<16xf32>,
    tpu.vector_store_idx %arg9[%add3A_221], %add3A_220 {add = true} : memref<256xf32, #tpu.memory_space<vmem>>[vector<16xi32>], vector<16xf32>,
    %scan3A_247 = arith.constant 62 : i32
    %scan3A_248 = arith.addi %scan3A, %scan3A_247 : i32
    %add3A_249 = arith.constant 1 : i32
    %add3A_250 = arith.addi %scan3A_248, %add3A_249 : i32
    %mul3A_251 = arith.constant 2 : i32
    %mul3A_252 = arith.muli %add3A_250, %mul3A_251 : i32
    %mul3A_253 = arith.constant 16 : i32
    %mul3A_254 = arith.muli %mul3A_252, %mul3A_253 : i32
    %multiple_of3A_255 = tpu.assume_multiple %mul3A_254, 32 : i32
    %get3A_256 = arith.index_cast %multiple_of3A_255 : i32 to index
    %get3A_257 = tpu.vector_load %arg6[%get3A_256] {strides = array<i32>} : memref<2048xf32, #tpu.memory_space<vmem>>, vector<16xf32>,
    %get3A_258 = arith.index_cast %multiple_of3A_255 : i32 to index
    %get3A_259 = tpu.vector_load %arg7[%get3A_258] {strides = array<i32>} : memref<2048xi32, #tpu.memory_space<vmem>>, vector<16xi32>,
    %add3A_260 = arith.constant 16 : i32
    %add3A_261 = arith.addi %multiple_of3A_255, %add3A_260 : i32
    %get3A_262 = arith.index_cast %add3A_261 : i32 to index
    %get3A_263 = tpu.vector_load %arg6[%get3A_262] {strides = array<i32>} : memref<2048xf32, #tpu.memory_space<vmem>>, vector<16xf32>,
    %add3A_264 = arith.constant 16 : i32
    %add3A_265 = arith.addi %multiple_of3A_255, %add3A_264 : i32
    %get3A_266 = arith.index_cast %add3A_265 : i32 to index
    %get3A_267 = tpu.vector_load %arg7[%get3A_266] {strides = array<i32>} : memref<2048xi32, #tpu.memory_space<vmem>>, vector<16xi32>,
    %add3A_268 = arith.addf %get3A_257, %broadcast_in_dim3A_74 : vector<16xf32>
    %add3A_269 = arith.addi %mul3A_72, %get3A_259 : vector<16xi32>
    %add3A_270 = arith.addf %get3A_263, %broadcast_in_dim3A_74 : vector<16xf32>
    %add3A_271 = arith.addi %mul3A_72, %get3A_267 : vector<16xi32>
    tpu.vector_store_idx %arg8[%add3A_244], %add3A_243 {add = true} : memref<256xf32, #tpu.memory_space<vmem>>[vector<16xi32>], vector<16xf32>,
    tpu.vector_store_idx %arg9[%add3A_246], %add3A_245 {add = true} : memref<256xf32, #tpu.memory_space<vmem>>[vector<16xi32>], vector<16xf32>,
    %scan3A_272 = arith.constant 63 : i32
    tpu.vector_store_idx %arg8[%add3A_269], %add3A_268 {add = true} : memref<256xf32, #tpu.memory_space<vmem>>[vector<16xi32>], vector<16xf32>,
    tpu.vector_store_idx %arg9[%add3A_271], %add3A_270 {add = true} : memref<256xf32, #tpu.memory_space<vmem>>[vector<16xi32>], vector<16xf32>,
    %broadcast_in_dim3A_273 = arith.constant 0.000000e+00 : f32
    %broadcast_in_dim3A_274 = vector.broadcast %broadcast_in_dim3A_273 : f32 to vector<16xf32>
    %broadcast_in_dim3A_275 = arith.constant 0.000000e+00 : f32
    %broadcast_in_dim3A_276 = vector.broadcast %broadcast_in_dim3A_275 : f32 to vector<16xf32>
    %get3A_277 = arith.constant 0 : index
    %get3A_278 = tpu.vector_load %arg8[%get3A_277] {strides = array<i32>} : memref<256xf32, #tpu.memory_space<vmem>>, vector<16xf32>,
    %get3A_279 = arith.constant 0 : index
    %get3A_280 = tpu.vector_load %arg9[%get3A_279] {strides = array<i32>} : memref<256xf32, #tpu.memory_space<vmem>>, vector<16xf32>,
    %add3A_281 = arith.addf %get3A_278, %get3A_280 : vector<16xf32>
    %mul3A_282 = arith.constant 0.001953125 : f32
    %mul3A_283 = vector.broadcast %mul3A_282 : f32 to vector<16xf32>
    %mul3A_284 = arith.mulf %add3A_281, %mul3A_283 : vector<16xf32>
    %convert_element_type3A_285 = arith.fptosi %mul3A_284 : vector<16xf32> to vector<16xi32>
    %convert_element_type3A_286 = arith.sitofp %convert_element_type3A_285 : vector<16xi32> to vector<16xf32>
    %mul3A_287 = arith.constant 5.120000e+02 : f32
    %mul3A_288 = vector.broadcast %mul3A_287 : f32 to vector<16xf32>
    %mul3A_289 = arith.mulf %mul3A_288, %convert_element_type3A_286 : vector<16xf32>
    %sub3A = arith.subf %add3A_281, %mul3A_289 : vector<16xf32>
    %add3A_290 = arith.addf %broadcast_in_dim3A_274, %sub3A : vector<16xf32>
    %add3A_291 = arith.addf %broadcast_in_dim3A_276, %convert_element_type3A_286 : vector<16xf32>
    %get3A_292 = arith.constant 16 : index
    %get3A_293 = tpu.vector_load %arg8[%get3A_292] {strides = array<i32>} : memref<256xf32, #tpu.memory_space<vmem>>, vector<16xf32>,
    %get3A_294 = arith.constant 16 : index
    %get3A_295 = tpu.vector_load %arg9[%get3A_294] {strides = array<i32>} : memref<256xf32, #tpu.memory_space<vmem>>, vector<16xf32>,
    %add3A_296 = arith.addf %get3A_293, %get3A_295 : vector<16xf32>
    %mul3A_297 = arith.constant 0.001953125 : f32
    %mul3A_298 = vector.broadcast %mul3A_297 : f32 to vector<16xf32>
    %mul3A_299 = arith.mulf %add3A_296, %mul3A_298 : vector<16xf32>
    %convert_element_type3A_300 = arith.fptosi %mul3A_299 : vector<16xf32> to vector<16xi32>
    %convert_element_type3A_301 = arith.sitofp %convert_element_type3A_300 : vector<16xi32> to vector<16xf32>
    %mul3A_302 = arith.constant 5.120000e+02 : f32
    %mul3A_303 = vector.broadcast %mul3A_302 : f32 to vector<16xf32>
    %mul3A_304 = arith.mulf %mul3A_303, %convert_element_type3A_301 : vector<16xf32>
    %sub3A_305 = arith.subf %add3A_296, %mul3A_304 : vector<16xf32>
    %add3A_306 = arith.addf %add3A_290, %sub3A_305 : vector<16xf32>
    %add3A_307 = arith.addf %add3A_291, %convert_element_type3A_301 : vector<16xf32>
    %get3A_308 = arith.constant 32 : index
    %get3A_309 = tpu.vector_load %arg8[%get3A_308] {strides = array<i32>} : memref<256xf32, #tpu.memory_space<vmem>>, vector<16xf32>,
    %get3A_310 = arith.constant 32 : index
    %get3A_311 = tpu.vector_load %arg9[%get3A_310] {strides = array<i32>} : memref<256xf32, #tpu.memory_space<vmem>>, vector<16xf32>,
    %add3A_312 = arith.addf %get3A_309, %get3A_311 : vector<16xf32>
    %mul3A_313 = arith.constant 0.001953125 : f32
    %mul3A_314 = vector.broadcast %mul3A_313 : f32 to vector<16xf32>
    %mul3A_315 = arith.mulf %add3A_312, %mul3A_314 : vector<16xf32>
    %convert_element_type3A_316 = arith.fptosi %mul3A_315 : vector<16xf32> to vector<16xi32>
    %convert_element_type3A_317 = arith.sitofp %convert_element_type3A_316 : vector<16xi32> to vector<16xf32>
    %mul3A_318 = arith.constant 5.120000e+02 : f32
    %mul3A_319 = vector.broadcast %mul3A_318 : f32 to vector<16xf32>
    %mul3A_320 = arith.mulf %mul3A_319, %convert_element_type3A_317 : vector<16xf32>
    %sub3A_321 = arith.subf %add3A_312, %mul3A_320 : vector<16xf32>
    %add3A_322 = arith.addf %add3A_306, %sub3A_321 : vector<16xf32>
    %add3A_323 = arith.addf %add3A_307, %convert_element_type3A_317 : vector<16xf32>
    %get3A_324 = arith.constant 48 : index
    %get3A_325 = tpu.vector_load %arg8[%get3A_324] {strides = array<i32>} : memref<256xf32, #tpu.memory_space<vmem>>, vector<16xf32>,
    %get3A_326 = arith.constant 48 : index
    %get3A_327 = tpu.vector_load %arg9[%get3A_326] {strides = array<i32>} : memref<256xf32, #tpu.memory_space<vmem>>, vector<16xf32>,
    %add3A_328 = arith.addf %get3A_325, %get3A_327 : vector<16xf32>
    %mul3A_329 = arith.constant 0.001953125 : f32
    %mul3A_330 = vector.broadcast %mul3A_329 : f32 to vector<16xf32>
    %mul3A_331 = arith.mulf %add3A_328, %mul3A_330 : vector<16xf32>
    %convert_element_type3A_332 = arith.fptosi %mul3A_331 : vector<16xf32> to vector<16xi32>
    %convert_element_type3A_333 = arith.sitofp %convert_element_type3A_332 : vector<16xi32> to vector<16xf32>
    %mul3A_334 = arith.constant 5.120000e+02 : f32
    %mul3A_335 = vector.broadcast %mul3A_334 : f32 to vector<16xf32>
    %mul3A_336 = arith.mulf %mul3A_335, %convert_element_type3A_333 : vector<16xf32>
    %sub3A_337 = arith.subf %add3A_328, %mul3A_336 : vector<16xf32>
    %add3A_338 = arith.addf %add3A_322, %sub3A_337 : vector<16xf32>
    %add3A_339 = arith.addf %add3A_323, %convert_element_type3A_333 : vector<16xf32>
    %get3A_340 = arith.constant 64 : index
    %get3A_341 = tpu.vector_load %arg8[%get3A_340] {strides = array<i32>} : memref<256xf32, #tpu.memory_space<vmem>>, vector<16xf32>,
    %get3A_342 = arith.constant 64 : index
    %get3A_343 = tpu.vector_load %arg9[%get3A_342] {strides = array<i32>} : memref<256xf32, #tpu.memory_space<vmem>>, vector<16xf32>,
    %add3A_344 = arith.addf %get3A_341, %get3A_343 : vector<16xf32>
    %mul3A_345 = arith.constant 0.001953125 : f32
    %mul3A_346 = vector.broadcast %mul3A_345 : f32 to vector<16xf32>
    %mul3A_347 = arith.mulf %add3A_344, %mul3A_346 : vector<16xf32>
    %convert_element_type3A_348 = arith.fptosi %mul3A_347 : vector<16xf32> to vector<16xi32>
    %convert_element_type3A_349 = arith.sitofp %convert_element_type3A_348 : vector<16xi32> to vector<16xf32>
    %mul3A_350 = arith.constant 5.120000e+02 : f32
    %mul3A_351 = vector.broadcast %mul3A_350 : f32 to vector<16xf32>
    %mul3A_352 = arith.mulf %mul3A_351, %convert_element_type3A_349 : vector<16xf32>
    %sub3A_353 = arith.subf %add3A_344, %mul3A_352 : vector<16xf32>
    %add3A_354 = arith.addf %add3A_338, %sub3A_353 : vector<16xf32>
    %add3A_355 = arith.addf %add3A_339, %convert_element_type3A_349 : vector<16xf32>
    %get3A_356 = arith.constant 80 : index
    %get3A_357 = tpu.vector_load %arg8[%get3A_356] {strides = array<i32>} : memref<256xf32, #tpu.memory_space<vmem>>, vector<16xf32>,
    %get3A_358 = arith.constant 80 : index
    %get3A_359 = tpu.vector_load %arg9[%get3A_358] {strides = array<i32>} : memref<256xf32, #tpu.memory_space<vmem>>, vector<16xf32>,
    %add3A_360 = arith.addf %get3A_357, %get3A_359 : vector<16xf32>
    %mul3A_361 = arith.constant 0.001953125 : f32
    %mul3A_362 = vector.broadcast %mul3A_361 : f32 to vector<16xf32>
    %mul3A_363 = arith.mulf %add3A_360, %mul3A_362 : vector<16xf32>
    %convert_element_type3A_364 = arith.fptosi %mul3A_363 : vector<16xf32> to vector<16xi32>
    %convert_element_type3A_365 = arith.sitofp %convert_element_type3A_364 : vector<16xi32> to vector<16xf32>
    %mul3A_366 = arith.constant 5.120000e+02 : f32
    %mul3A_367 = vector.broadcast %mul3A_366 : f32 to vector<16xf32>
    %mul3A_368 = arith.mulf %mul3A_367, %convert_element_type3A_365 : vector<16xf32>
    %sub3A_369 = arith.subf %add3A_360, %mul3A_368 : vector<16xf32>
    %add3A_370 = arith.addf %add3A_354, %sub3A_369 : vector<16xf32>
    %add3A_371 = arith.addf %add3A_355, %convert_element_type3A_365 : vector<16xf32>
    %get3A_372 = arith.constant 96 : index
    %get3A_373 = tpu.vector_load %arg8[%get3A_372] {strides = array<i32>} : memref<256xf32, #tpu.memory_space<vmem>>, vector<16xf32>,
    %get3A_374 = arith.constant 96 : index
    %get3A_375 = tpu.vector_load %arg9[%get3A_374] {strides = array<i32>} : memref<256xf32, #tpu.memory_space<vmem>>, vector<16xf32>,
    %add3A_376 = arith.addf %get3A_373, %get3A_375 : vector<16xf32>
    %mul3A_377 = arith.constant 0.001953125 : f32
    %mul3A_378 = vector.broadcast %mul3A_377 : f32 to vector<16xf32>
    %mul3A_379 = arith.mulf %add3A_376, %mul3A_378 : vector<16xf32>
    %convert_element_type3A_380 = arith.fptosi %mul3A_379 : vector<16xf32> to vector<16xi32>
    %convert_element_type3A_381 = arith.sitofp %convert_element_type3A_380 : vector<16xi32> to vector<16xf32>
    %mul3A_382 = arith.constant 5.120000e+02 : f32
    %mul3A_383 = vector.broadcast %mul3A_382 : f32 to vector<16xf32>
    %mul3A_384 = arith.mulf %mul3A_383, %convert_element_type3A_381 : vector<16xf32>
    %sub3A_385 = arith.subf %add3A_376, %mul3A_384 : vector<16xf32>
    %add3A_386 = arith.addf %add3A_370, %sub3A_385 : vector<16xf32>
    %add3A_387 = arith.addf %add3A_371, %convert_element_type3A_381 : vector<16xf32>
    %get3A_388 = arith.constant 112 : index
    %get3A_389 = tpu.vector_load %arg8[%get3A_388] {strides = array<i32>} : memref<256xf32, #tpu.memory_space<vmem>>, vector<16xf32>,
    %get3A_390 = arith.constant 112 : index
    %get3A_391 = tpu.vector_load %arg9[%get3A_390] {strides = array<i32>} : memref<256xf32, #tpu.memory_space<vmem>>, vector<16xf32>,
    %add3A_392 = arith.addf %get3A_389, %get3A_391 : vector<16xf32>
    %mul3A_393 = arith.constant 0.001953125 : f32
    %mul3A_394 = vector.broadcast %mul3A_393 : f32 to vector<16xf32>
    %mul3A_395 = arith.mulf %add3A_392, %mul3A_394 : vector<16xf32>
    %convert_element_type3A_396 = arith.fptosi %mul3A_395 : vector<16xf32> to vector<16xi32>
    %convert_element_type3A_397 = arith.sitofp %convert_element_type3A_396 : vector<16xi32> to vector<16xf32>
    %mul3A_398 = arith.constant 5.120000e+02 : f32
    %mul3A_399 = vector.broadcast %mul3A_398 : f32 to vector<16xf32>
    %mul3A_400 = arith.mulf %mul3A_399, %convert_element_type3A_397 : vector<16xf32>
    %sub3A_401 = arith.subf %add3A_392, %mul3A_400 : vector<16xf32>
    %add3A_402 = arith.addf %add3A_386, %sub3A_401 : vector<16xf32>
    %add3A_403 = arith.addf %add3A_387, %convert_element_type3A_397 : vector<16xf32>
    %get3A_404 = arith.constant 128 : index
    %get3A_405 = tpu.vector_load %arg8[%get3A_404] {strides = array<i32>} : memref<256xf32, #tpu.memory_space<vmem>>, vector<16xf32>,
    %get3A_406 = arith.constant 128 : index
    %get3A_407 = tpu.vector_load %arg9[%get3A_406] {strides = array<i32>} : memref<256xf32, #tpu.memory_space<vmem>>, vector<16xf32>,
    %add3A_408 = arith.addf %get3A_405, %get3A_407 : vector<16xf32>
    %mul3A_409 = arith.constant 0.001953125 : f32
    %mul3A_410 = vector.broadcast %mul3A_409 : f32 to vector<16xf32>
    %mul3A_411 = arith.mulf %add3A_408, %mul3A_410 : vector<16xf32>
    %convert_element_type3A_412 = arith.fptosi %mul3A_411 : vector<16xf32> to vector<16xi32>
    %convert_element_type3A_413 = arith.sitofp %convert_element_type3A_412 : vector<16xi32> to vector<16xf32>
    %mul3A_414 = arith.constant 5.120000e+02 : f32
    %mul3A_415 = vector.broadcast %mul3A_414 : f32 to vector<16xf32>
    %mul3A_416 = arith.mulf %mul3A_415, %convert_element_type3A_413 : vector<16xf32>
    %sub3A_417 = arith.subf %add3A_408, %mul3A_416 : vector<16xf32>
    %add3A_418 = arith.addf %add3A_402, %sub3A_417 : vector<16xf32>
    %add3A_419 = arith.addf %add3A_403, %convert_element_type3A_413 : vector<16xf32>
    %get3A_420 = arith.constant 144 : index
    %get3A_421 = tpu.vector_load %arg8[%get3A_420] {strides = array<i32>} : memref<256xf32, #tpu.memory_space<vmem>>, vector<16xf32>,
    %get3A_422 = arith.constant 144 : index
    %get3A_423 = tpu.vector_load %arg9[%get3A_422] {strides = array<i32>} : memref<256xf32, #tpu.memory_space<vmem>>, vector<16xf32>,
    %add3A_424 = arith.addf %get3A_421, %get3A_423 : vector<16xf32>
    %mul3A_425 = arith.constant 0.001953125 : f32
    %mul3A_426 = vector.broadcast %mul3A_425 : f32 to vector<16xf32>
    %mul3A_427 = arith.mulf %add3A_424, %mul3A_426 : vector<16xf32>
    %convert_element_type3A_428 = arith.fptosi %mul3A_427 : vector<16xf32> to vector<16xi32>
    %convert_element_type3A_429 = arith.sitofp %convert_element_type3A_428 : vector<16xi32> to vector<16xf32>
    %mul3A_430 = arith.constant 5.120000e+02 : f32
    %mul3A_431 = vector.broadcast %mul3A_430 : f32 to vector<16xf32>
    %mul3A_432 = arith.mulf %mul3A_431, %convert_element_type3A_429 : vector<16xf32>
    %sub3A_433 = arith.subf %add3A_424, %mul3A_432 : vector<16xf32>
    %add3A_434 = arith.addf %add3A_418, %sub3A_433 : vector<16xf32>
    %add3A_435 = arith.addf %add3A_419, %convert_element_type3A_429 : vector<16xf32>
    %get3A_436 = arith.constant 160 : index
    %get3A_437 = tpu.vector_load %arg8[%get3A_436] {strides = array<i32>} : memref<256xf32, #tpu.memory_space<vmem>>, vector<16xf32>,
    %get3A_438 = arith.constant 160 : index
    %get3A_439 = tpu.vector_load %arg9[%get3A_438] {strides = array<i32>} : memref<256xf32, #tpu.memory_space<vmem>>, vector<16xf32>,
    %add3A_440 = arith.addf %get3A_437, %get3A_439 : vector<16xf32>
    %mul3A_441 = arith.constant 0.001953125 : f32
    %mul3A_442 = vector.broadcast %mul3A_441 : f32 to vector<16xf32>
    %mul3A_443 = arith.mulf %add3A_440, %mul3A_442 : vector<16xf32>
    %convert_element_type3A_444 = arith.fptosi %mul3A_443 : vector<16xf32> to vector<16xi32>
    %convert_element_type3A_445 = arith.sitofp %convert_element_type3A_444 : vector<16xi32> to vector<16xf32>
    %mul3A_446 = arith.constant 5.120000e+02 : f32
    %mul3A_447 = vector.broadcast %mul3A_446 : f32 to vector<16xf32>
    %mul3A_448 = arith.mulf %mul3A_447, %convert_element_type3A_445 : vector<16xf32>
    %sub3A_449 = arith.subf %add3A_440, %mul3A_448 : vector<16xf32>
    %add3A_450 = arith.addf %add3A_434, %sub3A_449 : vector<16xf32>
    %add3A_451 = arith.addf %add3A_435, %convert_element_type3A_445 : vector<16xf32>
    %get3A_452 = arith.constant 176 : index
    %get3A_453 = tpu.vector_load %arg8[%get3A_452] {strides = array<i32>} : memref<256xf32, #tpu.memory_space<vmem>>, vector<16xf32>,
    %get3A_454 = arith.constant 176 : index
    %get3A_455 = tpu.vector_load %arg9[%get3A_454] {strides = array<i32>} : memref<256xf32, #tpu.memory_space<vmem>>, vector<16xf32>,
    %add3A_456 = arith.addf %get3A_453, %get3A_455 : vector<16xf32>
    %mul3A_457 = arith.constant 0.001953125 : f32
    %mul3A_458 = vector.broadcast %mul3A_457 : f32 to vector<16xf32>
    %mul3A_459 = arith.mulf %add3A_456, %mul3A_458 : vector<16xf32>
    %convert_element_type3A_460 = arith.fptosi %mul3A_459 : vector<16xf32> to vector<16xi32>
    %convert_element_type3A_461 = arith.sitofp %convert_element_type3A_460 : vector<16xi32> to vector<16xf32>
    %mul3A_462 = arith.constant 5.120000e+02 : f32
    %mul3A_463 = vector.broadcast %mul3A_462 : f32 to vector<16xf32>
    %mul3A_464 = arith.mulf %mul3A_463, %convert_element_type3A_461 : vector<16xf32>
    %sub3A_465 = arith.subf %add3A_456, %mul3A_464 : vector<16xf32>
    %add3A_466 = arith.addf %add3A_450, %sub3A_465 : vector<16xf32>
    %add3A_467 = arith.addf %add3A_451, %convert_element_type3A_461 : vector<16xf32>
    %get3A_468 = arith.constant 192 : index
    %get3A_469 = tpu.vector_load %arg8[%get3A_468] {strides = array<i32>} : memref<256xf32, #tpu.memory_space<vmem>>, vector<16xf32>,
    %get3A_470 = arith.constant 192 : index
    %get3A_471 = tpu.vector_load %arg9[%get3A_470] {strides = array<i32>} : memref<256xf32, #tpu.memory_space<vmem>>, vector<16xf32>,
    %add3A_472 = arith.addf %get3A_469, %get3A_471 : vector<16xf32>
    %mul3A_473 = arith.constant 0.001953125 : f32
    %mul3A_474 = vector.broadcast %mul3A_473 : f32 to vector<16xf32>
    %mul3A_475 = arith.mulf %add3A_472, %mul3A_474 : vector<16xf32>
    %convert_element_type3A_476 = arith.fptosi %mul3A_475 : vector<16xf32> to vector<16xi32>
    %convert_element_type3A_477 = arith.sitofp %convert_element_type3A_476 : vector<16xi32> to vector<16xf32>
    %mul3A_478 = arith.constant 5.120000e+02 : f32
    %mul3A_479 = vector.broadcast %mul3A_478 : f32 to vector<16xf32>
    %mul3A_480 = arith.mulf %mul3A_479, %convert_element_type3A_477 : vector<16xf32>
    %sub3A_481 = arith.subf %add3A_472, %mul3A_480 : vector<16xf32>
    %add3A_482 = arith.addf %add3A_466, %sub3A_481 : vector<16xf32>
    %add3A_483 = arith.addf %add3A_467, %convert_element_type3A_477 : vector<16xf32>
    %get3A_484 = arith.constant 208 : index
    %get3A_485 = tpu.vector_load %arg8[%get3A_484] {strides = array<i32>} : memref<256xf32, #tpu.memory_space<vmem>>, vector<16xf32>,
    %get3A_486 = arith.constant 208 : index
    %get3A_487 = tpu.vector_load %arg9[%get3A_486] {strides = array<i32>} : memref<256xf32, #tpu.memory_space<vmem>>, vector<16xf32>,
    %add3A_488 = arith.addf %get3A_485, %get3A_487 : vector<16xf32>
    %mul3A_489 = arith.constant 0.001953125 : f32
    %mul3A_490 = vector.broadcast %mul3A_489 : f32 to vector<16xf32>
    %mul3A_491 = arith.mulf %add3A_488, %mul3A_490 : vector<16xf32>
    %convert_element_type3A_492 = arith.fptosi %mul3A_491 : vector<16xf32> to vector<16xi32>
    %convert_element_type3A_493 = arith.sitofp %convert_element_type3A_492 : vector<16xi32> to vector<16xf32>
    %mul3A_494 = arith.constant 5.120000e+02 : f32
    %mul3A_495 = vector.broadcast %mul3A_494 : f32 to vector<16xf32>
    %mul3A_496 = arith.mulf %mul3A_495, %convert_element_type3A_493 : vector<16xf32>
    %sub3A_497 = arith.subf %add3A_488, %mul3A_496 : vector<16xf32>
    %add3A_498 = arith.addf %add3A_482, %sub3A_497 : vector<16xf32>
    %add3A_499 = arith.addf %add3A_483, %convert_element_type3A_493 : vector<16xf32>
    %get3A_500 = arith.constant 224 : index
    %get3A_501 = tpu.vector_load %arg8[%get3A_500] {strides = array<i32>} : memref<256xf32, #tpu.memory_space<vmem>>, vector<16xf32>,
    %get3A_502 = arith.constant 224 : index
    %get3A_503 = tpu.vector_load %arg9[%get3A_502] {strides = array<i32>} : memref<256xf32, #tpu.memory_space<vmem>>, vector<16xf32>,
    %add3A_504 = arith.addf %get3A_501, %get3A_503 : vector<16xf32>
    %mul3A_505 = arith.constant 0.001953125 : f32
    %mul3A_506 = vector.broadcast %mul3A_505 : f32 to vector<16xf32>
    %mul3A_507 = arith.mulf %add3A_504, %mul3A_506 : vector<16xf32>
    %convert_element_type3A_508 = arith.fptosi %mul3A_507 : vector<16xf32> to vector<16xi32>
    %convert_element_type3A_509 = arith.sitofp %convert_element_type3A_508 : vector<16xi32> to vector<16xf32>
    %mul3A_510 = arith.constant 5.120000e+02 : f32
    %mul3A_511 = vector.broadcast %mul3A_510 : f32 to vector<16xf32>
    %mul3A_512 = arith.mulf %mul3A_511, %convert_element_type3A_509 : vector<16xf32>
    %sub3A_513 = arith.subf %add3A_504, %mul3A_512 : vector<16xf32>
    %add3A_514 = arith.addf %add3A_498, %sub3A_513 : vector<16xf32>
    %add3A_515 = arith.addf %add3A_499, %convert_element_type3A_509 : vector<16xf32>
    %get3A_516 = arith.constant 240 : index
    %get3A_517 = tpu.vector_load %arg8[%get3A_516] {strides = array<i32>} : memref<256xf32, #tpu.memory_space<vmem>>, vector<16xf32>,
    %get3A_518 = arith.constant 240 : index
    %get3A_519 = tpu.vector_load %arg9[%get3A_518] {strides = array<i32>} : memref<256xf32, #tpu.memory_space<vmem>>, vector<16xf32>,
    %add3A_520 = arith.addf %get3A_517, %get3A_519 : vector<16xf32>
    %mul3A_521 = arith.constant 0.001953125 : f32
    %mul3A_522 = vector.broadcast %mul3A_521 : f32 to vector<16xf32>
    %mul3A_523 = arith.mulf %add3A_520, %mul3A_522 : vector<16xf32>
    %convert_element_type3A_524 = arith.fptosi %mul3A_523 : vector<16xf32> to vector<16xi32>
    %convert_element_type3A_525 = arith.sitofp %convert_element_type3A_524 : vector<16xi32> to vector<16xf32>
    %mul3A_526 = arith.constant 5.120000e+02 : f32
    %mul3A_527 = vector.broadcast %mul3A_526 : f32 to vector<16xf32>
    %mul3A_528 = arith.mulf %mul3A_527, %convert_element_type3A_525 : vector<16xf32>
    %sub3A_529 = arith.subf %add3A_520, %mul3A_528 : vector<16xf32>
    %add3A_530 = arith.addf %add3A_514, %sub3A_529 : vector<16xf32>
    %add3A_531 = arith.addf %add3A_515, %convert_element_type3A_525 : vector<16xf32>
    %swap3A_532 = arith.constant 0 : index
    %swap3A_533 = tpu.vector_load %arg10[%swap3A_532] {strides = array<i32>} : memref<32xf32, #tpu.memory_space<vmem>>, vector<16xf32>,
    tpu.vector_store %arg10[%swap3A_532], %add3A_530 {strides = array<i32>} : memref<32xf32, #tpu.memory_space<vmem>>, vector<16xf32>,
    %swap3A_534 = arith.constant 16 : index
    %swap3A_535 = tpu.vector_load %arg10[%swap3A_534] {strides = array<i32>} : memref<32xf32, #tpu.memory_space<vmem>>, vector<16xf32>,
    tpu.vector_store %arg10[%swap3A_534], %add3A_531 {strides = array<i32>} : memref<32xf32, #tpu.memory_space<vmem>>, vector<16xf32>,
    %mul3A_536 = arith.constant 2 : i32
    %mul3A_537 = arith.muli %arg1, %mul3A_536 : i32
    %mul3A_538 = arith.constant 16 : i32
    %mul3A_539 = arith.muli %mul3A_537, %mul3A_538 : i32
    "tpu.region"() ({
      %run_scoped3A = tpu.sem_alloc : memref<!tpu.dma_semaphore, #tpu.memory_space<semaphore_mem>>
      %dma_start3A_545 = tpu.memref_slice %arg14[%mul3A_539] : memref<512xf32, #tpu.memory_space<vmem_shared>> -> memref<32xf32, #tpu.memory_space<vmem_shared>>
      %dma_start3A_546 = tpu.memref_slice %arg14[%mul3A_539] : memref<512xf32, #tpu.memory_space<vmem_shared>> -> memref<32xf32, #tpu.memory_space<vmem_shared>>
      tpu.enqueue_dma source(%arg10 : memref<32xf32, #tpu.memory_space<vmem>>) target(%dma_start3A_546 : memref<32xf32, #tpu.memory_space<vmem_shared>>) target_semaphore(%run_scoped3A : memref<!tpu.dma_semaphore, #tpu.memory_space<semaphore_mem>>)
      %dma_wait3A_547 = tpu.memref_slice %arg14[%mul3A_539] : memref<512xf32, #tpu.memory_space<vmem_shared>> -> memref<32xf32, #tpu.memory_space<vmem_shared>>
      %dma_wait3A_548 = tpu.memref_slice %arg14[%mul3A_539] : memref<512xf32, #tpu.memory_space<vmem_shared>> -> memref<32xf32, #tpu.memory_space<vmem_shared>>
      tpu.wait_dma2 semaphore(%run_scoped3A : memref<!tpu.dma_semaphore, #tpu.memory_space<semaphore_mem>>) src(%arg10 : memref<32xf32, #tpu.memory_space<vmem>>) dst(%dma_wait3A_548 : memref<32xf32, #tpu.memory_space<vmem_shared>>)
      tpu.yield
    }) : () -> ()
    %barrier3A = arith.constant 0 : index
    tpu.barrier barrier_id(%barrier3A)
    %eq3A_540 = arith.constant 0 : i32
    %eq3A_541 = arith.cmpi eq, %arg1, %eq3A_540 : i32
    %convert_element_type3A_542 = arith.extui %eq3A_541 : i1 to i32
    %cond3A_543 = arith.constant 0 : i32
    %cond3A_544 = arith.cmpi ne, %convert_element_type3A_542, %cond3A_543 : i32
    scf.if %cond3A_544 {
      "tpu.region"() ({
        %run_scoped3A = tpu.sem_alloc : memref<!tpu.dma_semaphore, #tpu.memory_space<semaphore_mem>>
        tpu.enqueue_dma source(%arg14 : memref<512xf32, #tpu.memory_space<vmem_shared>>) target(%arg13 : memref<512xf32, #tpu.memory_space<vmem>>) target_semaphore(%run_scoped3A : memref<!tpu.dma_semaphore, #tpu.memory_space<semaphore_mem>>)
        tpu.wait_dma2 semaphore(%run_scoped3A : memref<!tpu.dma_semaphore, #tpu.memory_space<semaphore_mem>>) src(%arg14 : memref<512xf32, #tpu.memory_space<vmem_shared>>) dst(%arg13 : memref<512xf32, #tpu.memory_space<vmem>>)
        tpu.yield
      }) : () -> ()
      %broadcast_in_dim3A_545 = arith.constant 0.000000e+00 : f32
      %broadcast_in_dim3A_546 = vector.broadcast %broadcast_in_dim3A_545 : f32 to vector<16xf32>
      %broadcast_in_dim3A_547 = arith.constant 0.000000e+00 : f32
      %broadcast_in_dim3A_548 = vector.broadcast %broadcast_in_dim3A_547 : f32 to vector<16xf32>
      %get3A_549 = arith.constant 0 : index
      %get3A_550 = tpu.vector_load %arg13[%get3A_549] {strides = array<i32>} : memref<512xf32, #tpu.memory_space<vmem>>, vector<16xf32>,
      %add3A_551 = arith.addf %broadcast_in_dim3A_546, %get3A_550 : vector<16xf32>
      %get3A_552 = arith.constant 16 : index
      %get3A_553 = tpu.vector_load %arg13[%get3A_552] {strides = array<i32>} : memref<512xf32, #tpu.memory_space<vmem>>, vector<16xf32>,
      %add3A_554 = arith.addf %broadcast_in_dim3A_548, %get3A_553 : vector<16xf32>
      %get3A_555 = arith.constant 32 : index
      %get3A_556 = tpu.vector_load %arg13[%get3A_555] {strides = array<i32>} : memref<512xf32, #tpu.memory_space<vmem>>, vector<16xf32>,
      %add3A_557 = arith.addf %add3A_551, %get3A_556 : vector<16xf32>
      %get3A_558 = arith.constant 48 : index
      %get3A_559 = tpu.vector_load %arg13[%get3A_558] {strides = array<i32>} : memref<512xf32, #tpu.memory_space<vmem>>, vector<16xf32>,
      %add3A_560 = arith.addf %add3A_554, %get3A_559 : vector<16xf32>
      %get3A_561 = arith.constant 64 : index
      %get3A_562 = tpu.vector_load %arg13[%get3A_561] {strides = array<i32>} : memref<512xf32, #tpu.memory_space<vmem>>, vector<16xf32>,
      %add3A_563 = arith.addf %add3A_557, %get3A_562 : vector<16xf32>
      %get3A_564 = arith.constant 80 : index
      %get3A_565 = tpu.vector_load %arg13[%get3A_564] {strides = array<i32>} : memref<512xf32, #tpu.memory_space<vmem>>, vector<16xf32>,
      %add3A_566 = arith.addf %add3A_560, %get3A_565 : vector<16xf32>
      %get3A_567 = arith.constant 96 : index
      %get3A_568 = tpu.vector_load %arg13[%get3A_567] {strides = array<i32>} : memref<512xf32, #tpu.memory_space<vmem>>, vector<16xf32>,
      %add3A_569 = arith.addf %add3A_563, %get3A_568 : vector<16xf32>
      %get3A_570 = arith.constant 112 : index
      %get3A_571 = tpu.vector_load %arg13[%get3A_570] {strides = array<i32>} : memref<512xf32, #tpu.memory_space<vmem>>, vector<16xf32>,
      %add3A_572 = arith.addf %add3A_566, %get3A_571 : vector<16xf32>
      %get3A_573 = arith.constant 128 : index
      %get3A_574 = tpu.vector_load %arg13[%get3A_573] {strides = array<i32>} : memref<512xf32, #tpu.memory_space<vmem>>, vector<16xf32>,
      %add3A_575 = arith.addf %add3A_569, %get3A_574 : vector<16xf32>
      %get3A_576 = arith.constant 144 : index
      %get3A_577 = tpu.vector_load %arg13[%get3A_576] {strides = array<i32>} : memref<512xf32, #tpu.memory_space<vmem>>, vector<16xf32>,
      %add3A_578 = arith.addf %add3A_572, %get3A_577 : vector<16xf32>
      %get3A_579 = arith.constant 160 : index
      %get3A_580 = tpu.vector_load %arg13[%get3A_579] {strides = array<i32>} : memref<512xf32, #tpu.memory_space<vmem>>, vector<16xf32>,
      %add3A_581 = arith.addf %add3A_575, %get3A_580 : vector<16xf32>
      %get3A_582 = arith.constant 176 : index
      %get3A_583 = tpu.vector_load %arg13[%get3A_582] {strides = array<i32>} : memref<512xf32, #tpu.memory_space<vmem>>, vector<16xf32>,
      %add3A_584 = arith.addf %add3A_578, %get3A_583 : vector<16xf32>
      %get3A_585 = arith.constant 192 : index
      %get3A_586 = tpu.vector_load %arg13[%get3A_585] {strides = array<i32>} : memref<512xf32, #tpu.memory_space<vmem>>, vector<16xf32>,
      %add3A_587 = arith.addf %add3A_581, %get3A_586 : vector<16xf32>
      %get3A_588 = arith.constant 208 : index
      %get3A_589 = tpu.vector_load %arg13[%get3A_588] {strides = array<i32>} : memref<512xf32, #tpu.memory_space<vmem>>, vector<16xf32>,
      %add3A_590 = arith.addf %add3A_584, %get3A_589 : vector<16xf32>
      %get3A_591 = arith.constant 224 : index
      %get3A_592 = tpu.vector_load %arg13[%get3A_591] {strides = array<i32>} : memref<512xf32, #tpu.memory_space<vmem>>, vector<16xf32>,
      %add3A_593 = arith.addf %add3A_587, %get3A_592 : vector<16xf32>
      %get3A_594 = arith.constant 240 : index
      %get3A_595 = tpu.vector_load %arg13[%get3A_594] {strides = array<i32>} : memref<512xf32, #tpu.memory_space<vmem>>, vector<16xf32>,
      %add3A_596 = arith.addf %add3A_590, %get3A_595 : vector<16xf32>
      %get3A_597 = arith.constant 256 : index
      %get3A_598 = tpu.vector_load %arg13[%get3A_597] {strides = array<i32>} : memref<512xf32, #tpu.memory_space<vmem>>, vector<16xf32>,
      %add3A_599 = arith.addf %add3A_593, %get3A_598 : vector<16xf32>
      %get3A_600 = arith.constant 272 : index
      %get3A_601 = tpu.vector_load %arg13[%get3A_600] {strides = array<i32>} : memref<512xf32, #tpu.memory_space<vmem>>, vector<16xf32>,
      %add3A_602 = arith.addf %add3A_596, %get3A_601 : vector<16xf32>
      %get3A_603 = arith.constant 288 : index
      %get3A_604 = tpu.vector_load %arg13[%get3A_603] {strides = array<i32>} : memref<512xf32, #tpu.memory_space<vmem>>, vector<16xf32>,
      %add3A_605 = arith.addf %add3A_599, %get3A_604 : vector<16xf32>
      %get3A_606 = arith.constant 304 : index
      %get3A_607 = tpu.vector_load %arg13[%get3A_606] {strides = array<i32>} : memref<512xf32, #tpu.memory_space<vmem>>, vector<16xf32>,
      %add3A_608 = arith.addf %add3A_602, %get3A_607 : vector<16xf32>
      %get3A_609 = arith.constant 320 : index
      %get3A_610 = tpu.vector_load %arg13[%get3A_609] {strides = array<i32>} : memref<512xf32, #tpu.memory_space<vmem>>, vector<16xf32>,
      %add3A_611 = arith.addf %add3A_605, %get3A_610 : vector<16xf32>
      %get3A_612 = arith.constant 336 : index
      %get3A_613 = tpu.vector_load %arg13[%get3A_612] {strides = array<i32>} : memref<512xf32, #tpu.memory_space<vmem>>, vector<16xf32>,
      %add3A_614 = arith.addf %add3A_608, %get3A_613 : vector<16xf32>
      %get3A_615 = arith.constant 352 : index
      %get3A_616 = tpu.vector_load %arg13[%get3A_615] {strides = array<i32>} : memref<512xf32, #tpu.memory_space<vmem>>, vector<16xf32>,
      %add3A_617 = arith.addf %add3A_611, %get3A_616 : vector<16xf32>
      %get3A_618 = arith.constant 368 : index
      %get3A_619 = tpu.vector_load %arg13[%get3A_618] {strides = array<i32>} : memref<512xf32, #tpu.memory_space<vmem>>, vector<16xf32>,
      %add3A_620 = arith.addf %add3A_614, %get3A_619 : vector<16xf32>
      %get3A_621 = arith.constant 384 : index
      %get3A_622 = tpu.vector_load %arg13[%get3A_621] {strides = array<i32>} : memref<512xf32, #tpu.memory_space<vmem>>, vector<16xf32>,
      %add3A_623 = arith.addf %add3A_617, %get3A_622 : vector<16xf32>
      %get3A_624 = arith.constant 400 : index
      %get3A_625 = tpu.vector_load %arg13[%get3A_624] {strides = array<i32>} : memref<512xf32, #tpu.memory_space<vmem>>, vector<16xf32>,
      %add3A_626 = arith.addf %add3A_620, %get3A_625 : vector<16xf32>
      %get3A_627 = arith.constant 416 : index
      %get3A_628 = tpu.vector_load %arg13[%get3A_627] {strides = array<i32>} : memref<512xf32, #tpu.memory_space<vmem>>, vector<16xf32>,
      %add3A_629 = arith.addf %add3A_623, %get3A_628 : vector<16xf32>
      %get3A_630 = arith.constant 432 : index
      %get3A_631 = tpu.vector_load %arg13[%get3A_630] {strides = array<i32>} : memref<512xf32, #tpu.memory_space<vmem>>, vector<16xf32>,
      %add3A_632 = arith.addf %add3A_626, %get3A_631 : vector<16xf32>
      %get3A_633 = arith.constant 448 : index
      %get3A_634 = tpu.vector_load %arg13[%get3A_633] {strides = array<i32>} : memref<512xf32, #tpu.memory_space<vmem>>, vector<16xf32>,
      %add3A_635 = arith.addf %add3A_629, %get3A_634 : vector<16xf32>
      %get3A_636 = arith.constant 464 : index
      %get3A_637 = tpu.vector_load %arg13[%get3A_636] {strides = array<i32>} : memref<512xf32, #tpu.memory_space<vmem>>, vector<16xf32>,
      %add3A_638 = arith.addf %add3A_632, %get3A_637 : vector<16xf32>
      %get3A_639 = arith.constant 480 : index
      %get3A_640 = tpu.vector_load %arg13[%get3A_639] {strides = array<i32>} : memref<512xf32, #tpu.memory_space<vmem>>, vector<16xf32>,
      %add3A_641 = arith.addf %add3A_635, %get3A_640 : vector<16xf32>
      %get3A_642 = arith.constant 496 : index
      %get3A_643 = tpu.vector_load %arg13[%get3A_642] {strides = array<i32>} : memref<512xf32, #tpu.memory_space<vmem>>, vector<16xf32>,
      %add3A_644 = arith.addf %add3A_638, %get3A_643 : vector<16xf32>
      tpu.wait_dma2 semaphore(%arg15 : memref<!tpu.dma_semaphore, #tpu.memory_space<semaphore_mem>>) src(%arg3 : memref<16xf32, #tpu.memory_space<hbm>>) dst(%arg11 : memref<16xf32, #tpu.memory_space<vmem>>)
      %gt3A = arith.constant 0.000000e+00 : f32
      %gt3A_645 = vector.broadcast %gt3A : f32 to vector<16xf32>
      %gt3A_646 = arith.cmpf ogt, %add3A_644, %gt3A_645 : vector<16xf32>
      %max3A = arith.constant 1.000000e+00 : f32
      %max3A_647 = vector.broadcast %max3A : f32 to vector<16xf32>
      %max3A_648 = arith.maximumf %add3A_644, %max3A_647 : vector<16xf32>
      %div3A = arith.divf %add3A_641, %max3A_648 : vector<16xf32>
      %jit3A = arith.constant 0.000000e+00 : f32
      %broadcast_in_dim3A_649 = vector.broadcast %jit3A : f32 to vector<16xf32>
      %select_n3A = arith.select %gt3A_646, %div3A, %broadcast_in_dim3A_649 : vector<16xi1>, vector<16xf32>
      %get3A_650 = arith.constant 0 : index
      %get3A_651 = tpu.vector_load %arg11[%get3A_650] {strides = array<i32>} : memref<16xf32, #tpu.memory_space<vmem>>, vector<16xf32>,
      %mul3A_652 = arith.constant 0.00999999977 : f32
      %mul3A_653 = vector.broadcast %mul3A_652 : f32 to vector<16xf32>
      %mul3A_654 = arith.mulf %mul3A_653, %select_n3A : vector<16xf32>
      %add3A_655 = arith.addf %get3A_651, %mul3A_654 : vector<16xf32>
      %reduce_max3A = arith.constant true
      %reduce_max3A_656 = vector.broadcast %reduce_max3A : i1 to vector<16xi1>
      %reduce_max3A_657 = tpu.scan <max>, %add3A_655 masked %reduce_max3A_656 : vector<16xf32>, vector<16xi1> -> vector<16xf32>
      %reduce_max3A_658 = vector.extract %reduce_max3A_657[15] : f32 from vector<16xf32>
      %sub3A_659 = vector.broadcast %reduce_max3A_658 : f32 to vector<16xf32>
      %sub3A_660 = arith.subf %add3A_655, %sub3A_659 : vector<16xf32>
      %exp3A = math.exp %sub3A_660 : vector<16xf32>
      %reduce_sum3A = arith.constant true
      %reduce_sum3A_661 = vector.broadcast %reduce_sum3A : i1 to vector<16xi1>
      %reduce_sum3A_662 = tpu.scan <sum>, %exp3A masked %reduce_sum3A_661 : vector<16xf32>, vector<16xi1> -> vector<16xf32>
      %reduce_sum3A_663 = vector.extract %reduce_sum3A_662[15] : f32 from vector<16xf32>
      %div3A_664 = vector.broadcast %reduce_sum3A_663 : f32 to vector<16xf32>
      %div3A_665 = arith.divf %exp3A, %div3A_664 : vector<16xf32>
      %mul3A_666 = arith.mulf %div3A_665, %add3A_641 : vector<16xf32>
      %reduce_sum3A_667 = arith.constant true
      %reduce_sum3A_668 = vector.broadcast %reduce_sum3A_667 : i1 to vector<16xi1>
      %reduce_sum3A_669 = tpu.scan <sum>, %mul3A_666 masked %reduce_sum3A_668 : vector<16xf32>, vector<16xi1> -> vector<16xf32>
      %reduce_sum3A_670 = vector.extract %reduce_sum3A_669[15] : f32 from vector<16xf32>
      %mul3A_671 = arith.constant 3.05175781E-5 : f32
      %mul3A_672 = arith.mulf %reduce_sum3A_670, %mul3A_671 : f32
      %broadcast_in_dim3A_673 = vector.broadcast %mul3A_672 : f32 to vector<16xf32>
      %swap3A_674 = arith.constant 0 : index
      %swap3A_675 = tpu.vector_load %arg12[%swap3A_674] {strides = array<i32>} : memref<16xf32, #tpu.memory_space<vmem>>, vector<16xf32>,
      tpu.vector_store %arg12[%swap3A_674], %broadcast_in_dim3A_673 {strides = array<i32>} : memref<16xf32, #tpu.memory_space<vmem>>, vector<16xf32>,
      "tpu.region"() ({
        %run_scoped3A = tpu.sem_alloc : memref<!tpu.dma_semaphore, #tpu.memory_space<semaphore_mem>>
        tpu.enqueue_dma source(%arg12 : memref<16xf32, #tpu.memory_space<vmem>>) target(%arg5 : memref<16xf32, #tpu.memory_space<hbm>>) target_semaphore(%run_scoped3A : memref<!tpu.dma_semaphore, #tpu.memory_space<semaphore_mem>>)
        tpu.wait_dma2 semaphore(%run_scoped3A : memref<!tpu.dma_semaphore, #tpu.memory_space<semaphore_mem>>) src(%arg12 : memref<16xf32, #tpu.memory_space<vmem>>) dst(%arg5 : memref<16xf32, #tpu.memory_space<hbm>>)
        tpu.yield
      }) : () -> ()
    } else {
    }
    return
  }
}

</mosaic_0001>

<sc_bundles>
// kernel: kernel.3.cloned.1.call-start
scs
__scs_entry_jumppad:
0x0: {  	(pc) =	sbr.rel $0x88, $3  }
0x1: {  	(tag) =	ssettag $0x0;
	lr =	simm.s32 $0x1  }
0x2: {  	[smem:$0x3F9E] =	sst lr;
	_ =	strace $0xD0000000  }
0x3: {  	_ = 	snop  }
0x4: {  	_ = 	snop  }
0x5: {  	_ = 	snop  }
0x6: {  	_ = 	snop  }
0x7: {  	_ = 	snop  }
__scs_overlays_trampoline_lowered:
0x8: {  	[smem:$0x3FAD] =	sst s0  }
0x9: {  	[smem:$0x3FAE] =	sst s1  }
0xa: {  	[smem:$0x3FAF] =	sst s2  }
0xb: {  	[smem:$0x3FB0] =	sst s3  }
0xc: {  	[smem:$0x3FB1] =	sst s4  }
0xd: {  	[smem:$0x3FB2] =	sst s5  }
0xe: {  	[smem:$0x3FB3] =	sst s6  }
0xf: {  	[smem:$0x3FB4] =	sst s7  }
0x10: {  	[smem:$0x3FB5] =	sst s8  }
0x11: {  	[smem:$0x3FB6] =	sst s9;
	s0 =	simm.s32 @!p0 $0x0  }
0x12: {  	s1 =	sld [smem:$0x3F9C];
	s0 =	simm.s32 @p0 $0x1  }
0x13: {  	[smem:$0x3FB7] =	sst s0;
	s0 =	simm.s32 @!p1 $0x0  }
0x14: {  	s2 =	sld [smem:$0x3F9B];
	s0 =	simm.s32 @p1 $0x1  }
0x15: {  	[smem:$0x3FB8] =	sst s0;
	s0 =	simm.s32 @!p2 $0x0  }
0x16: {  	s3 =	sld [smem:$0x3FDB];
	s0 =	simm.s32 @p2 $0x1  }
0x17: {  	s4 =	simm.s32 $0x1BF5;
	[smem:$0x3FBA] =	sst s0  }
0x18: {  	s0 =	sld [smem:$0x3F9D];
	_ =	swait.ge [sflag:s4], $0x0  }
0x19: {  	s7 =	sld [smem:$0x3F9E]  }
0x1a: {  	s8 =	sadd.s32 $0xFFFFE003, lr  }
0x1b: {  	s9 =	sadd.s32 $0xFFFFFEF7, lr;
	s5 =	simm.s32 $0xFFFFFFFF;
	p2 =	slt.u32 s8, $0xFFFFF086  }
0x1c: {  	p1 =	slt.u32 s9, $0xF7A;
	s5 =	simm.s32 @!p2 $0x0  }
0x1d: {  	s5 =	simm.s32 @p1 $0x1;
	p0 =	seq.s32 s7, s2  }
0x1e: {  	s7 =	smul.u32 @!p0 $0xF7A, s2;
	p2 =	seq.s32 @!p0 s5, $0x0  }
0x1f: {  	s9 =	smul.u32 $0xF7A, s1;
	s8 =	simm.s32 @!p0 $0x1BF5;
	p2 =	por !p2, p0  }
0x20: {  	[sflag:s8] =	ssyncset.s32 @!p0 $0xFFFFF086;
	s6 =	sadd.s32 @!p0 s3, s7;
	s7 =	simm.s32 @!p0 $0x108  }
0x21: {  	s3 =	sadd.s32 s3, s9;
	s6 =	sadd.s32 @!p0 $0x88, s6;
	s7 =	simm.s32 @p2 $0x1082  }
0x22: {  	[simem:s7], [sflag:s8] =	dma.local @!p0 [hbm:s6], $0xF7A  }
0x23: {  	s9 =	sor.u32 $0xD0000000, s2;
	s6 =	simm.s32 $0x108;
	_ =	swait.ge @!p0 [sflag:s8], $0x0  }
0x24: {  	s3 =	sadd.s32 $0x88, s3;
	s6 =	simm.s32 @!p1 $0x1082;
	[sflag:s4] =	ssyncset.s32 $0xFFFFF086  }
0x25: {  	[simem:s6], [sflag:s4] =	dma.local [hbm:s3], $0xF7A  }
0x26: {  	[smem:$0x3F9E] =	sst s1;
	(tag) =	ssettag s2;
	_ =	strace s9  }
0x27: {  	s1 =	sld [smem:$0x3FAE]  }
0x28: {  	s2 =	sld [smem:$0x3FAF]  }
0x29: {  	s4 =	sld [smem:$0x3FB1]  }
0x2a: {  	p0 =	seq.s32 s5, $0x0;
	s5 =	sld [smem:$0x3FB2]  }
0x2b: {  	s6 =	sld [smem:$0x3FB3]  }
0x2c: {  	s7 =	sld [smem:$0x3FB4]  }
0x2d: {  	s3 =	simm.s32 $0x108;
	s8 =	sld [smem:$0x3FB5]  }
0x2e: {  	s3 =	simm.s32 @!p0 $0x1082;
	s9 =	sld [smem:$0x3FB6]  }
0x2f: {  	lr =	sadd.s32 s0, s3;
	s0 =	sld [smem:$0x3FAD]  }
0x30: {  	s3 =	sld [smem:$0x3FB0]  }
0x31: {  	[smem:$0x3FB9] =	sst s10  }
0x32: {  	s10 =	sld [smem:$0x3FB7];
	_ =	sdelay $0x3  }
0x33: {  	p0 =	seq.s32 s10, $0x1;
	s10 =	sld [smem:$0x3FB9];
	_ =	sdelay $0x3  }
0x34: {  	[smem:$0x3FB9] =	sst s10  }
0x35: {  	s10 =	sld [smem:$0x3FB8];
	_ =	sdelay $0x3  }
0x36: {  	p1 =	seq.s32 s10, $0x1;
	s10 =	sld [smem:$0x3FB9];
	_ =	sdelay $0x3  }
0x37: {  	[smem:$0x3FB9] =	sst s10  }
0x38: {  	s10 =	sld [smem:$0x3FBA]  }
0x39: {  	_ = 	snop;
	(pc) =	sbr.ind lr, $3  }
0x3a: {  	_ = 	snop  }
0x3b: {  	_ = 	snop  }
0x3c: {  	p2 =	seq.s32 s10, $0x1;
	s10 =	sld [smem:$0x3FB9]  }
0x3d: {  	_ =	shalt  }
0x3e: {  	_ =	shalt  }
0x3f: {  	_ =	shalt  }
0x40: {  	_ =	shalt  }
0x41: {  	_ =	shalt  }
0x42: {  	_ =	shalt  }
0x43: {  	_ =	shalt  }
0x44: {  	_ =	shalt  }
0x45: {  	_ =	shalt  }
0x46: {  	_ =	shalt  }
0x47: {  	_ =	shalt  }
0x48: {  	_ =	shalt  }
0x49: {  	_ =	shalt  }
0x4a: {  	_ =	shalt  }
0x4b: {  	_ =	shalt  }
0x4c: {  	_ =	shalt  }
0x4d: {  	_ =	shalt  }
0x4e: {  	_ =	shalt  }
0x4f: {  	_ =	shalt  }
0x50: {  	_ =	shalt  }
0x51: {  	_ =	shalt  }
0x52: {  	_ =	shalt  }
0x53: {  	_ =	shalt  }
0x54: {  	_ =	shalt  }
0x55: {  	_ =	shalt  }
0x56: {  	_ =	shalt  }
0x57: {  	_ =	shalt  }
0x58: {  	_ =	shalt  }
0x59: {  	_ =	shalt  }
0x5a: {  	_ =	shalt  }
0x5b: {  	_ =	shalt  }
0x5c: {  	_ =	shalt  }
0x5d: {  	_ =	shalt  }
0x5e: {  	_ =	shalt  }
0x5f: {  	_ =	shalt  }
0x60: {  	_ =	shalt  }
0x61: {  	_ =	shalt  }
0x62: {  	_ =	shalt  }
0x63: {  	_ =	shalt  }
0x64: {  	_ =	shalt  }
0x65: {  	_ =	shalt  }
0x66: {  	_ =	shalt  }
0x67: {  	_ =	shalt  }
0x68: {  	_ =	shalt  }
0x69: {  	_ =	shalt  }
0x6a: {  	_ =	shalt  }
0x6b: {  	_ =	shalt  }
0x6c: {  	_ =	shalt  }
0x6d: {  	_ =	shalt  }
0x6e: {  	_ =	shalt  }
0x6f: {  	_ =	shalt  }
0x70: {  	_ =	shalt  }
0x71: {  	_ =	shalt  }
0x72: {  	_ =	shalt  }
0x73: {  	_ =	shalt  }
0x74: {  	_ =	shalt  }
0x75: {  	_ =	shalt  }
0x76: {  	_ =	shalt  }
0x77: {  	_ =	shalt  }
0x78: {  	_ =	shalt  }
0x79: {  	_ =	shalt  }
0x7a: {  	_ =	shalt  }
0x7b: {  	_ =	shalt  }
0x7c: {  	_ =	shalt  }
0x7d: {  	_ =	shalt  }
0x7e: {  	_ =	shalt  }
0x7f: {  	_ =	shalt  }
0x80: {  	_ =	shalt  }
0x81: {  	_ =	shalt  }
0x82: {  	_ =	shalt  }
0x83: {  	_ =	shalt  }
0x84: {  	_ =	shalt  }
0x85: {  	_ =	shalt  }
0x86: {  	_ =	shalt  }
0x87: {  	_ =	shalt  }
.Lfunc_end0:
.L_simem_size_0:
called_computation_lowered:
.L_overlay_start_0:
0x88: {  	s0 =	sld [smem:$0x3FD9]  }
0x89: {  	s1 =	sld [smem:$0x3FFE];
	_ =	sdelay $0x3  }
0x8a: {  	s0 =	sadd.s32 s1, s0  }
0x8b: {  	[smem:$0x3FC5] =	sst s0  }
0x8c: {  	_ = 	snop  }
0x8d: {  	s0 =	sld [smem:$0x3FC9]  }
0x8e: {  	s17 =	sld [smem:$0x3FC8]  }
0x8f: {  	s2 =	sld [smem:$0x3FC7]  }
0x90: {  	s3 =	sld [smem:$0x3FD0];
	(tm) =	ssettm $0x1  }
0x91: {  	s4 =	sld [smem:$0x3FFB];
	_ =	sdelay $0x3  }
0x92: {  	_ =	strace s4  }
0x93: {  	s4 =	sld [smem:$0x3FFC];
	_ =	sdelay $0x3  }
0x94: {  	_ =	strace s4  }
0x95: {  	s4 =	sld [smem:$0x3FFD];
	_ =	sdelay $0x3  }
0x96: {  	_ =	strace s4  }
0x97: {  	_ =	strace $0x8FFFFFFF  }
0x98: {  	s18 =	sld [smem:$0x3FDB];
	_ =	sdelay $0x1  }
0x99: {  	s5 =	simm.s32 $_scs_section_size  }
0x9a: {  	s6 =	simm.s32 $_size__tile_overlayer_lowered;
	s7 =	simm.s32 $_tile_overlayer_lowered  }
0x9b: {  	s21 =	simm.s32 $0x1BFF;
	s20 =	sshll.u32 s7, $0x1;
	s4 =	sadd.s32 s5, s18  }
0x9c: {  	s8 =	simm.s32 $0x0;
	s19 =	sshll.u32 s6, $0x1;
	s6 =	sadd.s32 s20, s4  }
0x9d: {  	[timem:s8], [sflag:s21] =	dma.local [hbm:s6], s19  }
0x9e: {  	_ =	swait.ge [sflag:s21], s19  }
0x9f: {  	s5 =	ssub.s32 $0x0, s19;
	[sflag:s21] =	ssyncset.done $0x0  }
0xa0: {  	[sflag:s21] =	ssyncadd.s32 s5;
	_ =	sdelay $0x1  }
0xa1: {  	s22 =	simm.s32 $0x1B8B  }
0xa2: {  	_ =	swait.ge [sflag:s22], $0x1  }
0xa3: {  	[sflag:s22] =	ssyncset.done $0x0  }
0xa4: {  	s23 =	simm.s32 $0x1B8E;
	[sflag:s22] =	ssyncadd.s32 $0xFFFFFFFF  }
0xa5: {  	s24 =	simm.s32 $execute0_lowered;
	[smem:$0x3FD2] =	sst s23  }
0xa6: {  	s5 =	sshll.u32 s24, $0x1;
	_ =	strace $0x80000046;
	[dreg:$0x1] =	wrdreg $0xFFFFFFFF  }
0xa7: {  	s25 =	simm.s32 $_size_execute0_lowered;
	s4 =	sadd.s32 s4, s5;
	[dreg:$0x0] =	wrdreg $0x0  }
0xa8: {  	s5 =	sshll.u32 s25, $0x1;
	[dreg:$0x2] =	wrdreg s4  }
0xa9: {  	[dreg:$0x3] =	wrdreg s5  }
0xaa: {  	[dreg:$0x4] =	wrdreg $0xC0  }
0xab: {  	_ =	task [dreg:s8], $0x5FFFF  }
0xac: {  	[dreg:$0x1] =	wrdreg $0xFFFFFFFF  }
0xad: {  	[dreg:$0x0] =	wrdreg $0x60  }
0xae: {  	[dreg:$0x2] =	wrdreg s0  }
0xaf: {  	[dreg:$0x3] =	wrdreg s17  }
0xb0: {  	[dreg:$0x4] =	wrdreg s2  }
0xb1: {  	[dreg:$0x5] =	wrdreg s3  }
0xb2: {  	[dreg:$0x6] =	wrdreg $0x15800  }
0xb3: {  	[dreg:$0x7] =	wrdreg $0x9  }
0xb4: {  	_ =	task.clear_ibuf [dreg:s8], $0x8FFFF;
	_ =	strace $0x90000046  }
0xb5: {  	s26 =	simm.s32 $0x9;
	_ =	strace $0x80000048  }
0xb6: {  	_ =	swait.ge [sflag:s26], $0x1  }
0xb7: {  	[sflag:s26] =	ssyncadd.s32 $0xFFFFFFFF  }
0xb8: {  	_ =	strace $0x90000048  }
0xb9: {  	_ =	sfence  }
0xba: {  	s28 =	sld [smem:$0x0];
	_ =	sdelay $0x1  }
0xbb: {  	s29 =	srdreg.scid  }
0xbc: {  	s30 =	sshll.u32 s29, $0xD;
	s31 =	sshrl.u32 s29, $0x2  }
0xbd: {  	s1 =	sand.u32 $0x1, s29;
	s2 =	sand.u32 $0x4000, s30;
	s0 =	sadd.s32 s31, s28  }
0xbe: {  	s1 =	sor.u32 s2, s1;
	s0 =	sshll.u32 s0, $0x11  }
0xbf: {  	s0 =	sor.u32 s0, s1  }
0xc0: {  	s0 =	sadd.s32 $0x8F2B, s0  }
0xc1: {  	[sflag:s0] =	ssyncadd.remote.s32 $0x1  }
0xc2: {  	_ =	sfence.sel $0xFFFF  }
0xc3: {  	[dreg:$0x0] =	wrdreg $0xFFFFFFFF;
	(pc) =	sbr.abs _section_cstart, $3  }
0xc4: {  	[dreg:$0x1] =	wrdreg $0xFFFFFFFF  }
0xc5: {  	_ =	task.clear_ibuf [dreg:s8], $0x2FFFF;
	_ =	strace $0x9FFFFFFF  }
0xc6: {  	(tm) =	ssettm $0x7FFFFFFF  }
0xc7: {  	_ =	shalt  }
tec
execute0_lowered:
.L_overlay_start_1:
0x0: {  	(tag) =	ssettag $0x1  }
0x1: {  	s4 =	rddreg [dreg:$0x0]  }
0x2: {  	s5 =	rddreg [dreg:$0x1]  }
0x3: {  	s6 =	rddreg [dreg:$0x2]  }
0x4: {  	s1 =	rddreg [dreg:$0x3]  }
0x5: {  	s2 =	rddreg [dreg:$0x4];
	s7 =	simm.s32 $0x0;
	s3 =	stileid.u32  }
0x6: {  	[smem:$0x7FF] =	sst s7;
	s8 =	sshll.u32 s3, $0x8  }
0x7: {  	s0 =	rddreg [dreg:$0x5];
	_ =	strace $0x80000047;
	s4 =	sadd.s32 s4, s8  }
0x8: {  	[tilespmem:s7], [sflag:$0x2] =	stream.linear.gather [hbm4b:s4+s7], $0x800, $0x38;
	[tilespmem:$0x15A0] =	vst v63  }
0x9: {  	s29 =	simm.s32 $0x800;
	p0 =	sne.s32 s3, $0x0;
	s28 =	sadd.s32 s6, s8  }
0xa: {  	[tilespmem:s29], [sflag:$0x3] =	stream.linear.gather [hbm4b:s28+s7], $0x800, $0x38;
	[tilespmem:$0x15A0] =	vst v63  }
0xb: {  	s6 =	simm.s32 @!p0 $0x1280;
	s4 =	simm.s32 @!p0 $0x0  }
0xc: {  	v0 =	vimm.f32 $0.0e+00;
	[tilespmem:s6], [sflag:$0x1] =	stream.linear.gather @!p0 [hbm4b:s5+s4], $0x80, $0x38;
	[tilespmem:$0x15A0] =	vst v63  }
0xd: {  	[tilespmem:$0x1000] =	vst v0  }
0xe: {  	[tilespmem:$0x1100] =	vst v0  }
0xf: {  	[tilespmem:$0x1010] =	vst v0  }
0x10: {  	[tilespmem:$0x1110] =	vst v0  }
0x11: {  	[tilespmem:$0x1020] =	vst v0  }
0x12: {  	[tilespmem:$0x1120] =	vst v0  }
0x13: {  	[tilespmem:$0x1030] =	vst v0  }
0x14: {  	[tilespmem:$0x1130] =	vst v0  }
0x15: {  	[tilespmem:$0x1040] =	vst v0  }
0x16: {  	[tilespmem:$0x1140] =	vst v0  }
0x17: {  	[tilespmem:$0x1050] =	vst v0  }
0x18: {  	[tilespmem:$0x1150] =	vst v0  }
0x19: {  	[tilespmem:$0x1060] =	vst v0  }
0x1a: {  	[tilespmem:$0x1160] =	vst v0  }
0x1b: {  	[tilespmem:$0x1070] =	vst v0  }
0x1c: {  	[tilespmem:$0x1170] =	vst v0  }
0x1d: {  	[tilespmem:$0x1080] =	vst v0  }
0x1e: {  	[tilespmem:$0x1180] =	vst v0  }
0x1f: {  	[tilespmem:$0x1090] =	vst v0  }
0x20: {  	[tilespmem:$0x1190] =	vst v0  }
0x21: {  	[tilespmem:$0x10A0] =	vst v0  }
0x22: {  	[tilespmem:$0x11A0] =	vst v0  }
0x23: {  	[tilespmem:$0x10B0] =	vst v0  }
0x24: {  	[tilespmem:$0x11B0] =	vst v0  }
0x25: {  	[tilespmem:$0x10C0] =	vst v0  }
0x26: {  	[tilespmem:$0x11C0] =	vst v0  }
0x27: {  	[tilespmem:$0x10D0] =	vst v0  }
0x28: {  	[tilespmem:$0x11D0] =	vst v0  }
0x29: {  	[tilespmem:$0x10E0] =	vst v0  }
0x2a: {  	[tilespmem:$0x11E0] =	vst v0  }
0x2b: {  	[tilespmem:$0x10F0] =	vst v0  }
0x2c: {  	s30 =	simm.s32 $0x2;
	[tilespmem:$0x11F0] =	vst v0  }
0x2d: {  	_ =	swait.ge [sflag:s30], $0x800  }
0x2e: {  	[sflag:s30] =	ssyncset.done $0x0  }
0x2f: {  	s31 =	simm.s32 $0x3;
	[sflag:s30] =	ssyncadd.s32 $0xFFFFF800  }
0x30: {  	_ =	swait.ge [sflag:s31], $0x800  }
0x31: {  	[sflag:s31] =	ssyncset.done $0x0  }
0x32: {  	[sflag:s31] =	ssyncadd.s32 $0xFFFFF800  }
0x33: {  	v1 =	vld [tilespmem:$0x800]  }
0x34: {  	v2 =	vld [tilespmem:$0x810]  }
0x35: {  	v0 =	vlaneseq.u32  }
0x36: {  	v0 =	vmul.u32 $0x10, v0;
	v3 =	vld [tilespmem:$0x0]  }
0x37: {  	v4 =	vld [tilespmem:$0x10]  }
0x38: {  	s4 =	simm.s32 $0x890;
	v1 =	vadd.s32 v0, v1  }
0x39: {  	v5 =	vld [tilespmem:s4+$0xFFFFFF90];
	v2 =	vadd.s32 v0, v2  }
0x3a: {  	s5 =	simm.s32 $0x90;
	v6 =	vld [tilespmem:s4+$0xFFFFFFA0]  }
0x3b: {  	v7 =	vld [tilespmem:s5+$0xFFFFFF90];
	v3 =	vadd.f32 $5.120000000e+02, v3  }
0x3c: {  	s6 =	simm.s32 $0x1000;
	v8 =	vld [tilespmem:s5+$0xFFFFFFA0];
	v4 =	vadd.f32 $5.120000000e+02, v4  }
0x3d: {  	s7 =	simm.s32 $0x1100;
	[tilespmem:v1+s6+$0x0] =	vst.idx.add.f32.msk $0xffff, v3  }
0x3e: {  	v1 =	vadd.s32 v0, v5;
	[tilespmem:v2+s7+$0x0] =	vst.idx.add.f32.msk $0xffff, v4  }
0x3f: {  	v2 =	vadd.s32 v0, v6;
	v3 =	vld [tilespmem:s4+$0xFFFFFFB0]  }
0x40: {  	v4 =	vld [tilespmem:s4+$0xFFFFFFC0]  }
0x41: {  	v5 =	vadd.f32 $5.120000000e+02, v7;
	v6 =	vld [tilespmem:s5+$0xFFFFFFB0]  }
0x42: {  	v7 =	vadd.f32 $5.120000000e+02, v8;
	v8 =	vld [tilespmem:s5+$0xFFFFFFC0]  }
0x43: {  	[tilespmem:v1+s6+$0x0] =	vst.idx.add.f32.msk $0xffff, v5  }
0x44: {  	[tilespmem:v2+s7+$0x0] =	vst.idx.add.f32.msk $0xffff, v7;
	v1 =	vadd.s32 v0, v3  }
0x45: {  	v2 =	vadd.s32 v0, v4;
	v3 =	vld [tilespmem:s4+$0xFFFFFFD0]  }
0x46: {  	v4 =	vld [tilespmem:s4+$0xFFFFFFE0]  }
0x47: {  	v5 =	vadd.f32 $5.120000000e+02, v6;
	v6 =	vld [tilespmem:s5+$0xFFFFFFE0]  }
0x48: {  	v7 =	vadd.f32 $5.120000000e+02, v8;
	v8 =	vld [tilespmem:s5+$0xFFFFFFD0]  }
0x49: {  	[tilespmem:v1+s6+$0x0] =	vst.idx.add.f32.msk $0xffff, v5  }
0x4a: {  	v1 =	vadd.s32 v0, v3;
	[tilespmem:v2+s7+$0x0] =	vst.idx.add.f32.msk $0xffff, v7  }
0x4b: {  	v2 =	vadd.s32 v0, v4;
	v3 =	vld [tilespmem:s4+$0xFFFFFFF0]  }
0x4c: {  	v4 =	vld [tilespmem:s4+$0x0]  }
0x4d: {  	v5 =	vadd.f32 $5.120000000e+02, v8;
	v7 =	vld [tilespmem:s5+$0x0]  }
0x4e: {  	v6 =	vadd.f32 $5.120000000e+02, v6;
	v8 =	vld [tilespmem:s5+$0xFFFFFFF0]  }
0x4f: {  	[tilespmem:v1+s6+$0x0] =	vst.idx.add.f32.msk $0xffff, v5  }
0x50: {  	[tilespmem:v2+s7+$0x0] =	vst.idx.add.f32.msk $0xffff, v6;
	v1 =	vadd.s32 v0, v3  }
0x51: {  	v2 =	vadd.s32 v0, v4;
	v3 =	vld [tilespmem:s4+$0x10]  }
0x52: {  	v4 =	vld [tilespmem:s4+$0x20]  }
0x53: {  	v5 =	vadd.f32 $5.120000000e+02, v8;
	v6 =	vld [tilespmem:s5+$0x20]  }
0x54: {  	v7 =	vadd.f32 $5.120000000e+02, v7;
	v8 =	vld [tilespmem:s5+$0x10]  }
0x55: {  	[tilespmem:v1+s6+$0x0] =	vst.idx.add.f32.msk $0xffff, v5  }
0x56: {  	v1 =	vadd.s32 v0, v3;
	[tilespmem:v2+s7+$0x0] =	vst.idx.add.f32.msk $0xffff, v7  }
0x57: {  	v2 =	vadd.s32 v0, v4;
	v3 =	vld [tilespmem:s4+$0x30]  }
0x58: {  	v4 =	vld [tilespmem:s4+$0x40]  }
0x59: {  	v5 =	vadd.f32 $5.120000000e+02, v8;
	v7 =	vld [tilespmem:s5+$0x30]  }
0x5a: {  	v6 =	vadd.f32 $5.120000000e+02, v6;
	v8 =	vld [tilespmem:s5+$0x40]  }
0x5b: {  	[tilespmem:v1+s6+$0x0] =	vst.idx.add.f32.msk $0xffff, v5  }
0x5c: {  	[tilespmem:v2+s7+$0x0] =	vst.idx.add.f32.msk $0xffff, v6;
	v1 =	vadd.s32 v0, v3  }
0x5d: {  	v2 =	vadd.s32 v0, v4;
	v3 =	vld [tilespmem:s4+$0x50]  }
0x5e: {  	v4 =	vld [tilespmem:s4+$0x60]  }
0x5f: {  	v5 =	vadd.f32 $5.120000000e+02, v7;
	v6 =	vld [tilespmem:s5+$0x60]  }
0x60: {  	v7 =	vadd.f32 $5.120000000e+02, v8;
	v8 =	vld [tilespmem:s5+$0x50]  }
0x61: {  	[tilespmem:v1+s6+$0x0] =	vst.idx.add.f32.msk $0xffff, v5  }
0x62: {  	v9 =	vadd.s32 v0, v3;
	[tilespmem:v2+s7+$0x0] =	vst.idx.add.f32.msk $0xffff, v7  }
0x63: {  	v2 =	vld [tilespmem:s4+$0x80]  }
0x64: {  	v1 =	vld [tilespmem:s5+$0x80]  }
0x65: {  	v4 =	vadd.s32 v0, v4;
	v7 =	vadd.f32 $5.120000000e+02, v8;
	v5 =	vld [tilespmem:s4+$0x70]  }
0x66: {  	s3 =	sshll.u32 s3, $0x5;
	v3 =	vld [tilespmem:s5+$0x70]  }
0x67: {  	s3 =	sadd.s32 s3, s2;
	s8 =	simm.s32 $0x0;
	v6 =	vadd.f32 $5.120000000e+02, v6;
	[tilespmem:v9+s6+$0x0] =	vst.idx.add.f32.msk $0xffff, v7  }
.LBB2_1:
0x68: {  	s8 =	sadd.s32 $0x8, s8;
	s5 =	sadd.s32 $0x100, s5;
	s4 =	sadd.s32 $0x100, s4  }
0x69: {  	v2 =	vadd.s32 v0, v2;
	p1 =	slt.u32 s8, $0x30;
	v1 =	vadd.f32 $5.120000000e+02, v1  }
0x6a: {  	[tilespmem:v4+s7+$0x0] =	vst.idx.add.f32.msk $0xffff, v6;
	v4 =	vadd.s32 v0, v5  }
0x6b: {  	v3 =	vadd.f32 $5.120000000e+02, v3  }
0x6c: {  	v5 =	vld [tilespmem:s4+$0xFFFFFF90]  }
0x6d: {  	v6 =	vld [tilespmem:s4+$0xFFFFFFA0]  }
0x6e: {  	v7 =	vld [tilespmem:s5+$0xFFFFFF90]  }
0x6f: {  	v8 =	vld [tilespmem:s5+$0xFFFFFFA0]  }
0x70: {  	[tilespmem:v4+s6+$0x0] =	vst.idx.add.f32.msk $0xffff, v3  }
0x71: {  	v3 =	vadd.s32 v0, v5;
	[tilespmem:v2+s7+$0x0] =	vst.idx.add.f32.msk $0xffff, v1  }
0x72: {  	v1 =	vadd.s32 v0, v6;
	v2 =	vld [tilespmem:s4+$0xFFFFFFB0]  }
0x73: {  	v4 =	vld [tilespmem:s4+$0xFFFFFFC0]  }
0x74: {  	v5 =	vadd.f32 $5.120000000e+02, v7;
	v6 =	vld [tilespmem:s5+$0xFFFFFFB0]  }
0x75: {  	v7 =	vadd.f32 $5.120000000e+02, v8;
	v8 =	vld [tilespmem:s5+$0xFFFFFFC0]  }
0x76: {  	[tilespmem:v3+s6+$0x0] =	vst.idx.add.f32.msk $0xffff, v5  }
0x77: {  	v2 =	vadd.s32 v0, v2;
	[tilespmem:v1+s7+$0x0] =	vst.idx.add.f32.msk $0xffff, v7  }
0x78: {  	v1 =	vadd.s32 v0, v4;
	v3 =	vld [tilespmem:s4+$0xFFFFFFD0]  }
0x79: {  	v4 =	vld [tilespmem:s4+$0xFFFFFFE0]  }
0x7a: {  	v5 =	vadd.f32 $5.120000000e+02, v6;
	v6 =	vld [tilespmem:s5+$0xFFFFFFE0]  }
0x7b: {  	v7 =	vadd.f32 $5.120000000e+02, v8;
	v8 =	vld [tilespmem:s5+$0xFFFFFFD0]  }
0x7c: {  	[tilespmem:v2+s6+$0x0] =	vst.idx.add.f32.msk $0xffff, v5  }
0x7d: {  	v2 =	vadd.s32 v0, v3;
	[tilespmem:v1+s7+$0x0] =	vst.idx.add.f32.msk $0xffff, v7  }
0x7e: {  	v1 =	vadd.s32 v0, v4;
	v3 =	vld [tilespmem:s4+$0xFFFFFFF0]  }
0x7f: {  	v4 =	vld [tilespmem:s4+$0x0]  }
0x80: {  	v5 =	vadd.f32 $5.120000000e+02, v8;
	v7 =	vld [tilespmem:s5+$0x0]  }
0x81: {  	v6 =	vadd.f32 $5.120000000e+02, v6;
	v8 =	vld [tilespmem:s5+$0xFFFFFFF0]  }
0x82: {  	[tilespmem:v2+s6+$0x0] =	vst.idx.add.f32.msk $0xffff, v5  }
0x83: {  	v2 =	vadd.s32 v0, v3;
	[tilespmem:v1+s7+$0x0] =	vst.idx.add.f32.msk $0xffff, v6  }
0x84: {  	v1 =	vadd.s32 v0, v4;
	v3 =	vld [tilespmem:s4+$0x10]  }
0x85: {  	v4 =	vld [tilespmem:s4+$0x20]  }
0x86: {  	v5 =	vadd.f32 $5.120000000e+02, v8;
	v6 =	vld [tilespmem:s5+$0x20]  }
0x87: {  	v7 =	vadd.f32 $5.120000000e+02, v7;
	v8 =	vld [tilespmem:s5+$0x10]  }
0x88: {  	[tilespmem:v2+s6+$0x0] =	vst.idx.add.f32.msk $0xffff, v5  }
0x89: {  	v2 =	vadd.s32 v0, v3;
	[tilespmem:v1+s7+$0x0] =	vst.idx.add.f32.msk $0xffff, v7  }
0x8a: {  	v1 =	vadd.s32 v0, v4;
	v3 =	vld [tilespmem:s4+$0x30]  }
0x8b: {  	v4 =	vld [tilespmem:s4+$0x40]  }
0x8c: {  	v5 =	vadd.f32 $5.120000000e+02, v8;
	v7 =	vld [tilespmem:s5+$0x30]  }
0x8d: {  	v6 =	vadd.f32 $5.120000000e+02, v6;
	v8 =	vld [tilespmem:s5+$0x40]  }
0x8e: {  	[tilespmem:v2+s6+$0x0] =	vst.idx.add.f32.msk $0xffff, v5  }
0x8f: {  	v2 =	vadd.s32 v0, v3;
	[tilespmem:v1+s7+$0x0] =	vst.idx.add.f32.msk $0xffff, v6  }
0x90: {  	v1 =	vadd.s32 v0, v4;
	v3 =	vld [tilespmem:s4+$0x50]  }
0x91: {  	v4 =	vld [tilespmem:s4+$0x60]  }
0x92: {  	v5 =	vadd.f32 $5.120000000e+02, v7;
	v6 =	vld [tilespmem:s5+$0x60]  }
0x93: {  	v7 =	vadd.f32 $5.120000000e+02, v8;
	v8 =	vld [tilespmem:s5+$0x50]  }
0x94: {  	[tilespmem:v2+s6+$0x0] =	vst.idx.add.f32.msk $0xffff, v5  }
0x95: {  	v9 =	vadd.s32 v0, v3;
	[tilespmem:v1+s7+$0x0] =	vst.idx.add.f32.msk $0xffff, v7  }
.Ltmp0:
0x96: {  	v4 =	vadd.s32 v0, v4;
	v2 =	vld [tilespmem:s4+$0x80];
	(pc) =	sbr.rel @p1 .LBB2_1-.Ltmp0, $4  }
0x97: {  	v6 =	vadd.f32 $5.120000000e+02, v6;
	v1 =	vld [tilespmem:s5+$0x80]  }
0x98: {  	v7 =	vadd.f32 $5.120000000e+02, v8;
	v5 =	vld [tilespmem:s4+$0x70]  }
0x99: {  	v3 =	vld [tilespmem:s5+$0x70]  }
0x9a: {  	[tilespmem:v9+s6+$0x0] =	vst.idx.add.f32.msk $0xffff, v7  }
0x9b: {  	_ =	sdelay $0x3  }
0x9c: {  	[tilespmem:v4+s7+$0x0] =	vst.idx.add.f32.msk $0xffff, v6;
	v46 =	vadd.s32 v0, v5  }
0x9d: {  	v47 =	vadd.s32 v0, v2;
	v48 =	vld [tilespmem:$0xF20]  }
0x9e: {  	v49 =	vld [tilespmem:$0xF30]  }
0x9f: {  	v7 =	vlaneseq.u32;
	v6 =	vld [tilespmem:$0x720];
	v3 =	vadd.f32 $5.120000000e+02, v3  }
0xa0: {  	s4 =	simm.s32 $0x1000;
	v1 =	vadd.f32 $5.120000000e+02, v1;
	v8 =	vld [tilespmem:$0x730];
	v7 =	vmul.u32 $0x10, v7  }
0xa1: {  	s5 =	simm.s32 $0x1100;
	[tilespmem:v46+s4+$0x0] =	vst.idx.add.f32.msk $0xffff, v3  }
0xa2: {  	v2 =	vadd.s32 v7, v48;
	[tilespmem:v47+s5+$0x0] =	vst.idx.add.f32.msk $0xffff, v1  }
0xa3: {  	v50 =	vadd.s32 v7, v49;
	v1 =	vld [tilespmem:$0xF40]  }
0xa4: {  	v3 =	vld [tilespmem:$0xF50]  }
0xa5: {  	v51 =	vadd.f32 $5.120000000e+02, v6;
	v52 =	vld [tilespmem:$0x740]  }
0xa6: {  	v53 =	vadd.f32 $5.120000000e+02, v8;
	v54 =	vld [tilespmem:$0x750]  }
0xa7: {  	[tilespmem:v2+s4+$0x0] =	vst.idx.add.f32.msk $0xffff, v51  }
0xa8: {  	[tilespmem:v50+s5+$0x0] =	vst.idx.add.f32.msk $0xffff, v53;
	v1 =	vadd.s32 v7, v1  }
0xa9: {  	v2 =	vld [tilespmem:$0xF60];
	v55 =	vadd.s32 v7, v3  }
0xaa: {  	v56 =	vld [tilespmem:$0xF70]  }
0xab: {  	v58 =	vld [tilespmem:$0x760];
	v57 =	vadd.f32 $5.120000000e+02, v52  }
0xac: {  	v60 =	vld [tilespmem:$0x770];
	v59 =	vadd.f32 $5.120000000e+02, v54  }
0xad: {  	[tilespmem:v1+s4+$0x0] =	vst.idx.add.f32.msk $0xffff, v57  }
0xae: {  	v61 =	vadd.s32 v7, v2;
	[tilespmem:v55+s5+$0x0] =	vst.idx.add.f32.msk $0xffff, v59  }
0xaf: {  	v62 =	vadd.s32 v7, v56;
	v63 =	vld [tilespmem:$0xF80]  }
0xb0: {  	v12 =	vld [tilespmem:$0xF90]  }
0xb1: {  	v13 =	vadd.f32 $5.120000000e+02, v58;
	v14 =	vld [tilespmem:$0x780]  }
0xb2: {  	v15 =	vadd.f32 $5.120000000e+02, v60;
	v16 =	vld [tilespmem:$0x790]  }
0xb3: {  	[tilespmem:v61+s4+$0x0] =	vst.idx.add.f32.msk $0xffff, v13  }
0xb4: {  	[tilespmem:v62+s5+$0x0] =	vst.idx.add.f32.msk $0xffff, v15;
	v17 =	vadd.s32 v7, v63  }
0xb5: {  	v19 =	vld [tilespmem:$0xFA0];
	v18 =	vadd.s32 v7, v12  }
0xb6: {  	v20 =	vld [tilespmem:$0xFB0]  }
0xb7: {  	v22 =	vld [tilespmem:$0x7A0];
	v21 =	vadd.f32 $5.120000000e+02, v14  }
0xb8: {  	v24 =	vld [tilespmem:$0x7B0];
	v23 =	vadd.f32 $5.120000000e+02, v16  }
0xb9: {  	[tilespmem:v17+s4+$0x0] =	vst.idx.add.f32.msk $0xffff, v21  }
0xba: {  	v25 =	vadd.s32 v7, v19;
	[tilespmem:v18+s5+$0x0] =	vst.idx.add.f32.msk $0xffff, v23  }
0xbb: {  	v26 =	vadd.s32 v7, v20;
	v27 =	vld [tilespmem:$0x7C0]  }
0xbc: {  	v28 =	vld [tilespmem:$0xFC0]  }
0xbd: {  	v29 =	vadd.f32 $5.120000000e+02, v22;
	v30 =	vld [tilespmem:$0x7D0]  }
0xbe: {  	v31 =	vadd.f32 $5.120000000e+02, v24;
	v32 =	vld [tilespmem:$0xFD0]  }
0xbf: {  	[tilespmem:v25+s4+$0x0] =	vst.idx.add.f32.msk $0xffff, v29  }
0xc0: {  	[tilespmem:v26+s5+$0x0] =	vst.idx.add.f32.msk $0xffff, v31  }
0xc1: {  	v0 =	vld [tilespmem:$0xFE0]  }
0xc2: {  	v1 =	vld [tilespmem:$0xFF0];
	_ =	sdelay $0x1  }
0xc3: {  	v4 =	vld [tilespmem:$0x7E0];
	v3 =	vadd.s32 v7, v28  }
0xc4: {  	v34 =	vld [tilespmem:$0x7F0];
	v33 =	vadd.s32 v7, v32  }
0xc5: {  	v0 =	vadd.s32 v7, v0  }
0xc6: {  	v2 =	vadd.f32 $5.120000000e+02, v27;
	v1 =	vadd.s32 v7, v1  }
0xc7: {  	v5 =	vadd.f32 $5.120000000e+02, v30  }
0xc8: {  	v4 =	vadd.f32 $5.120000000e+02, v4;
	[tilespmem:v3+s4+$0x0] =	vst.idx.add.f32.msk $0xffff, v2  }
0xc9: {  	v35 =	vadd.f32 $5.120000000e+02, v34;
	[tilespmem:v33+s5+$0x0] =	vst.idx.add.f32.msk $0xffff, v5  }
0xca: {  	[tilespmem:v0+s4+$0x0] =	vst.idx.add.f32.msk $0xffff, v4  }
0xcb: {  	[tilespmem:v1+s5+$0x0] =	vst.idx.add.f32.msk $0xffff, v35  }
0xcc: {  	v0 =	vld [tilespmem:$0x1000]  }
0xcd: {  	v1 =	vld [tilespmem:$0x1100]  }
0xce: {  	v2 =	vld [tilespmem:$0x1010]  }
0xcf: {  	v3 =	vld [tilespmem:$0x1110]  }
0xd0: {  	v36 =	vld [tilespmem:$0x1020]  }
0xd1: {  	v4 =	vld [tilespmem:$0x1120]  }
0xd2: {  	v38 =	vld [tilespmem:$0x1030]  }
0xd3: {  	v6 =	vld [tilespmem:$0x1130]  }
0xd4: {  	v40 =	vld [tilespmem:$0x1040]  }
0xd5: {  	v41 =	vld [tilespmem:$0x1140]  }
0xd6: {  	v42 =	vld [tilespmem:$0x1050]  }
0xd7: {  	v11 =	vld [tilespmem:$0x1150]  }
0xd8: {  	v44 =	vld [tilespmem:$0x1060]  }
0xd9: {  	v13 =	vld [tilespmem:$0x1160]  }
0xda: {  	v45 =	vld [tilespmem:$0x1070]  }
0xdb: {  	v15 =	vld [tilespmem:$0x1170]  }
0xdc: {  	v50 =	vld [tilespmem:$0x1080]  }
0xdd: {  	v52 =	vld [tilespmem:$0x1180]  }
0xde: {  	v54 =	vld [tilespmem:$0x1090]  }
0xdf: {  	v56 =	vld [tilespmem:$0x1190]  }
0xe0: {  	v61 =	vld [tilespmem:$0x10A0]  }
0xe1: {  	v62 =	vld [tilespmem:$0x11A0];
	v0 =	vadd.f32 v1, v0;
	v2 =	vadd.f32 v3, v2  }
0xe2: {  	v21 =	vld [tilespmem:$0x10B0];
	v1 =	vadd.f32 v4, v36;
	v3 =	vadd.f32 v6, v38  }
0xe3: {  	v23 =	vld [tilespmem:$0x11B0];
	v4 =	vadd.f32 v41, v40;
	v6 =	vadd.f32 v11, v42  }
0xe4: {  	v8 =	vadd.f32 v13, v44;
	v11 =	vadd.f32 v15, v45  }
0xe5: {  	v60 =	vadd.f32 v52, v50;
	v37 =	vmul.f32 $1.953125000e-03, v0;
	v39 =	vmul.f32 $1.953125000e-03, v2  }
0xe6: {  	v20 =	vadd.f32 v56, v54;
	v9 =	vmul.f32 $1.953125000e-03, v1;
	v12 =	vmul.f32 $1.953125000e-03, v3  }
0xe7: {  	v27 =	vadd.f32 v62, v61;
	v14 =	vmul.f32 $1.953125000e-03, v4;
	v16 =	vmul.f32 $1.953125000e-03, v6  }
0xe8: {  	v31 =	vadd.f32 v23, v21;
	v53 =	vmul.f32 $1.953125000e-03, v8;
	v57 =	vmul.f32 $1.953125000e-03, v11  }
0xe9: {  	v63 =	vmul.f32 $1.953125000e-03, v60;
	v24 =	vmul.f32 $1.953125000e-03, v20  }
0xea: {  	v30 =	vmul.f32 $1.953125000e-03, v27;
	v36 =	vmul.f32 $1.953125000e-03, v31  }
0xeb: {  	v5 =	vtrunc.f32 v37;
	v7 =	vtrunc.f32 v39  }
0xec: {  	v9 =	vtrunc.f32 v9;
	v12 =	vtrunc.f32 v12  }
0xed: {  	v14 =	vtrunc.f32 v14;
	v49 =	vtrunc.f32 v16  }
0xee: {  	v35 =	vtrunc.f32 v30;
	v5 =	vcvt.f32.s32 v5  }
0xef: {  	v7 =	vcvt.f32.s32 v7;
	v9 =	vcvt.f32.s32 v9  }
0xf0: {  	v32 =	vld [tilespmem:$0x10D0];
	v12 =	vcvt.f32.s32 v12;
	v5 =	vcvt.s32.f32 v5  }
0xf1: {  	v34 =	vld [tilespmem:$0x11D0];
	v7 =	vcvt.s32.f32 v7;
	v9 =	vcvt.s32.f32 v9  }
0xf2: {  	v12 =	vcvt.s32.f32 v12;
	v10 =	vmul.f32 $5.120000000e+02, v5  }
0xf3: {  	v51 =	vcvt.f32.s32 v49;
	v43 =	vmul.f32 $5.120000000e+02, v7;
	v5 =	vadd.f32 v7, v5  }
0xf4: {  	v45 =	vld [tilespmem:$0x11F0];
	v46 =	vmul.f32 $5.120000000e+02, v9;
	v48 =	vmul.f32 $5.120000000e+02, v12;
	v0 =	vsub.f32 v0, v10  }
0xf5: {  	v2 =	vsub.f32 v2, v43;
	v5 =	vadd.f32 v9, v5;
	v9 =	vtrunc.f32 v57;
	v43 =	vld [tilespmem:$0x10F0]  }
0xf6: {  	v42 =	vadd.f32 v34, v32;
	v7 =	vcvt.s32.f32 v51;
	v9 =	vcvt.f32.s32 v9  }
0xf7: {  	v47 =	vcvt.f32.s32 v14;
	v1 =	vsub.f32 v1, v46;
	v0 =	vadd.f32 $0.0e+00, v0  }
0xf8: {  	v3 =	vsub.f32 v3, v48;
	v59 =	vmul.f32 $5.120000000e+02, v7;
	v9 =	vcvt.s32.f32 v9  }
0xf9: {  	v28 =	vld [tilespmem:$0x10C0];
	v5 =	vadd.f32 v12, v5;
	v0 =	vadd.f32 v2, v0;
	v2 =	vcvt.s32.f32 v47  }
0xfa: {  	v29 =	vld [tilespmem:$0x11C0];
	v47 =	vmul.f32 $1.953125000e-03, v42;
	v26 =	vmul.f32 $5.120000000e+02, v9;
	v51 =	vadd.f32 v45, v43  }
0xfb: {  	v0 =	vadd.f32 v1, v0;
	v55 =	vmul.f32 $5.120000000e+02, v2;
	v1 =	vtrunc.f32 v53  }
0xfc: {  	v2 =	vadd.f32 v2, v5;
	v5 =	vtrunc.f32 v24;
	v1 =	vcvt.f32.s32 v1  }
0xfd: {  	v5 =	vcvt.f32.s32 v5;
	v53 =	vmul.f32 $1.953125000e-03, v51  }
0xfe: {  	v0 =	vadd.f32 v3, v0;
	v58 =	vsub.f32 v4, v55;
	v3 =	vtrunc.f32 v63  }
0xff: {  	v2 =	vadd.f32 v7, v2;
	v7 =	vadd.f32 v29, v28;
	v1 =	vcvt.s32.f32 v1  }
0x100: {  	v4 =	vsub.f32 v6, v59;
	v3 =	vcvt.f32.s32 v3;
	v5 =	vcvt.s32.f32 v5  }
0x101: {  	v40 =	vld [tilespmem:$0x11E0];
	v6 =	vsub.f32 v11, v26;
	v57 =	vtrunc.f32 v53;
	v41 =	vmul.f32 $1.953125000e-03, v7  }
0x102: {  	v39 =	vld [tilespmem:$0x10E0];
	v0 =	vadd.f32 v58, v0;
	v22 =	vmul.f32 $5.120000000e+02, v1;
	v3 =	vcvt.s32.f32 v3  }
0x103: {  	v1 =	vadd.f32 v1, v2;
	v2 =	vcvt.f32.s32 v35;
	v38 =	vmul.f32 $5.120000000e+02, v5  }
0x104: {  	v0 =	vadd.f32 v4, v0;
	v4 =	vtrunc.f32 v36;
	v25 =	vsub.f32 v8, v22  }
0x105: {  	v33 =	vmul.f32 $5.120000000e+02, v3;
	v1 =	vadd.f32 v9, v1;
	v2 =	vcvt.s32.f32 v2  }
0x106: {  	v4 =	vcvt.f32.s32 v4;
	v10 =	vsub.f32 v20, v38;
	v0 =	vadd.f32 v25, v0  }
0x107: {  	v46 =	vtrunc.f32 v41;
	v9 =	vadd.f32 v40, v39;
	v37 =	vsub.f32 v60, v33  }
0x108: {  	v44 =	vmul.f32 $5.120000000e+02, v2;
	v4 =	vcvt.s32.f32 v4;
	v0 =	vadd.f32 v6, v0  }
0x109: {  	v1 =	vadd.f32 v3, v1;
	v3 =	vcvt.f32.s32 v46;
	v50 =	vmul.f32 $1.953125000e-03, v9  }
0x10a: {  	v8 =	vsub.f32 v27, v44;
	v48 =	vmul.f32 $5.120000000e+02, v4;
	v0 =	vadd.f32 v37, v0  }
0x10b: {  	v6 =	vtrunc.f32 v47;
	v1 =	vadd.f32 v5, v1;
	v3 =	vcvt.s32.f32 v3  }
0x10c: {  	v49 =	vcvt.f32.s32 v6;
	v6 =	vtrunc.f32 v50;
	v0 =	vadd.f32 v10, v0  }
0x10d: {  	v52 =	vmul.f32 $5.120000000e+02, v3;
	v1 =	vadd.f32 v2, v1;
	v54 =	vcvt.f32.s32 v6  }
0x10e: {  	v5 =	vcvt.s32.f32 v49;
	v10 =	vsub.f32 v31, v48;
	v0 =	vadd.f32 v8, v0  }
0x10f: {  	v55 =	vsub.f32 v7, v52;
	v2 =	vcvt.s32.f32 v54;
	v1 =	vadd.f32 v4, v1  }
0x110: {  	v56 =	vmul.f32 $5.120000000e+02, v5;
	v0 =	vadd.f32 v10, v0;
	v10 =	vcvt.f32.s32 v57  }
0x111: {  	v59 =	vmul.f32 $5.120000000e+02, v2;
	v1 =	vadd.f32 v3, v1  }
0x112: {  	v58 =	vsub.f32 v42, v56;
	v0 =	vadd.f32 v55, v0;
	v60 =	vcvt.s32.f32 v10  }
0x113: {  	v1 =	vadd.f32 v5, v1  }
0x114: {  	v61 =	vsub.f32 v9, v59;
	v0 =	vadd.f32 v58, v0;
	v62 =	vmul.f32 $5.120000000e+02, v60  }
0x115: {  	v1 =	vadd.f32 v2, v1  }
0x116: {  	v0 =	vadd.f32 v61, v0;
	v63 =	vsub.f32 v51, v62  }
0x117: {  	v1 =	vadd.f32 v60, v1  }
0x118: {  	v0 =	vadd.f32 v63, v0  }
0x119: {  	[tilespmem:$0x1210] =	vst v1  }
0x11a: {  	s31 =	simm.s32 $0x1200;
	[tilespmem:$0x1200] =	vst v0  }
0x11b: {  	[spmem:s3] =	stream.linear.scatter [tilespmem:s31], [sflag:$0x4], $0x20, $0x38;
	[tilespmem:$0x15A0] =	vst v63  }
0x11c: {  	s3 =	simm.s32 $0x4  }
0x11d: {  	_ =	swait.ge [sflag:s3], $0x20  }
0x11e: {  	[sflag:s3] =	ssyncset.done $0x0  }
0x11f: {  	[sflag:s3] =	ssyncadd.s32 $0xFFFFFFE0  }
0x120: {  	[bflag:$0x0] =	sbarrier.arrive $0xFFFF  }
0x121: {  	_ =	sfence.sel @p0 $0x180000  }
0x122: {  	[bflag:$0x0] =	sbarrier.arrive @p0 $0xFFFF  }
0x123: {  	_ =	strace @p0 $0x90000047  }
0x124: {  	[bflag:$0x2] =	sbarrier.arrive @p0 $0xFFFF  }
0x125: {  	_ =	shalt @p0  }
.LBB2_3:
0x126: {  	s4 =	simm.s32 $0x1380  }
0x127: {  	[tilespmem:s4], [sflag:$0x4] =	stream.linear.gather [spmem:s2], $0x200, $0x38;
	[tilespmem:$0x15A0] =	vst v63  }
0x128: {  	_ =	swait.ge [sflag:s3], $0x200  }
0x129: {  	[sflag:s3] =	ssyncset.done $0x0  }
0x12a: {  	[sflag:s3] =	ssyncadd.s32 $0xFFFFFE00  }
0x12b: {  	v0 =	vld [tilespmem:$0x1390];
	_ =	sdelay $0x1  }
0x12c: {  	v1 =	vld [tilespmem:$0x13B0];
	_ =	sdelay $0x1  }
0x12d: {  	v2 =	vld [tilespmem:$0x13D0]  }
0x12e: {  	v0 =	vadd.f32 $0.0e+00, v0  }
0x12f: {  	v3 =	vld [tilespmem:$0x13F0]  }
0x130: {  	v0 =	vadd.f32 v1, v0  }
0x131: {  	v32 =	vld [tilespmem:$0x1410]  }
0x132: {  	v0 =	vadd.f32 v2, v0  }
0x133: {  	v33 =	vld [tilespmem:$0x1430]  }
0x134: {  	v4 =	vld [tilespmem:$0x1380];
	v0 =	vadd.f32 v3, v0  }
0x135: {  	v34 =	vld [tilespmem:$0x1450]  }
0x136: {  	v5 =	vld [tilespmem:$0x13A0];
	v0 =	vadd.f32 v32, v0  }
0x137: {  	v35 =	vld [tilespmem:$0x1470]  }
0x138: {  	v6 =	vld [tilespmem:$0x13C0];
	v0 =	vadd.f32 v33, v0  }
0x139: {  	v37 =	vld [tilespmem:$0x1490];
	v36 =	vadd.f32 $0.0e+00, v4  }
0x13a: {  	v7 =	vld [tilespmem:$0x13E0];
	v0 =	vadd.f32 v34, v0  }
0x13b: {  	v38 =	vld [tilespmem:$0x14B0];
	v2 =	vadd.f32 v5, v36  }
0x13c: {  	v39 =	vld [tilespmem:$0x1400];
	v0 =	vadd.f32 v35, v0  }
0x13d: {  	v41 =	vld [tilespmem:$0x14D0];
	v40 =	vadd.f32 v6, v2  }
0x13e: {  	v42 =	vld [tilespmem:$0x1420];
	v0 =	vadd.f32 v37, v0  }
0x13f: {  	v43 =	vld [tilespmem:$0x14F0];
	v1 =	vadd.f32 v7, v40  }
0x140: {  	v44 =	vld [tilespmem:$0x1440];
	v0 =	vadd.f32 v38, v0  }
0x141: {  	v45 =	vld [tilespmem:$0x1510];
	v1 =	vadd.f32 v39, v1  }
0x142: {  	v46 =	vld [tilespmem:$0x1460];
	v0 =	vadd.f32 v41, v0  }
0x143: {  	v47 =	vld [tilespmem:$0x1530];
	v1 =	vadd.f32 v42, v1  }
0x144: {  	v48 =	vld [tilespmem:$0x1480];
	v0 =	vadd.f32 v43, v0  }
0x145: {  	v49 =	vld [tilespmem:$0x1550];
	v1 =	vadd.f32 v44, v1  }
0x146: {  	v50 =	vld [tilespmem:$0x14A0];
	v0 =	vadd.f32 v45, v0  }
0x147: {  	v51 =	vld [tilespmem:$0x1570];
	v1 =	vadd.f32 v46, v1  }
0x148: {  	v52 =	vld [tilespmem:$0x14C0];
	v0 =	vadd.f32 v47, v0  }
0x149: {  	v1 =	vadd.f32 v48, v1  }
0x14a: {  	v53 =	vld [tilespmem:$0x14E0];
	v0 =	vadd.f32 v49, v0  }
0x14b: {  	v54 =	vld [tilespmem:$0x1500];
	v1 =	vadd.f32 v50, v1  }
0x14c: {  	v55 =	vld [tilespmem:$0x1520];
	v0 =	vadd.f32 v51, v0  }
0x14d: {  	s28 =	simm.s32 $0x1;
	v56 =	vld [tilespmem:$0x1540];
	v1 =	vadd.f32 v52, v1  }
0x14e: {  	v57 =	vld [tilespmem:$0x1560];
	_ =	swait.ge [sflag:s28], $0x80;
	v58 =	vmax.f32 v0, $1.000000000e+00  }
0x14f: {  	v1 =	vadd.f32 v53, v1;
	(erf) = vrcp.f32 v58;
	_ =	sdelay $0x1  }
0x150: {  	v1 =	vadd.f32 v54, v1;
	_ =	sdelay $0x1  }
0x151: {  	v1 =	vadd.f32 v55, v1;
	_ =	sdelay $0x1  }
0x152: {  	v1 =	vadd.f32 v56, v1;
	_ =	sdelay $0x1  }
0x153: {  	[sflag:s28] =	ssyncset.done $0x0;
	v1 =	vadd.f32 v57, v1  }
0x154: {  	[sflag:s28] =	ssyncadd.s32 $0xFFFFFF80;
	v59 =	vpop (erf)  }
0x155: {  	v60 =	vld [tilespmem:$0x1280];
	v2 =	vmul.f32 v59, v1;
	_ =	sdelay $0x1  }
0x156: {  	v2 =	vmul.f32 $9.999999770e-03, v2  }
0x157: {  	vm0 =	vgt.f32 v0, $0.0e+00  }
0x158: {  	v0 =	vnsel vm0, $0x0, v2  }
0x159: {  	v0 =	vadd.f32 v0, v60;
	_ =	sdelay $0x1  }
0x15a: {  	(xrf0) =	vmax.scan.msk.f32 $0xffff, v0;
	_ =	sdelay $0x5  }
0x15b: {  	v61, _, _ =	vpop (xrf0)  }
0x15c: {  	v2 =	vbroadcast v61, $0xF;
	_ =	sdelay $0x1  }
0x15d: {  	v0 =	vsub.f32 v0, v2;
	_ =	sdelay $0x1  }
0x15e: {  	v0 =	vmul.f32 $1.442695020e+00, v0;
	_ =	sdelay $0x1  }
0x15f: {  	(erf) = vpow2.f32 v0;
	_ =	sdelay $0x8  }
0x160: {  	v0 =	vpop (erf)  }
0x161: {  	(xrf2) =	vadd.scan.msk.f32 $0xffff, v0;
	_ =	sdelay $0x9  }
0x162: {  	v62, _, _ =	vpop (xrf2)  }
0x163: {  	v2 =	vbroadcast v62, $0xF;
	_ =	sdelay $0x1  }
0x164: {  	(erf) = vrcp.f32 v2;
	_ =	sdelay $0x8  }
0x165: {  	v2 =	vpop (erf)  }
0x166: {  	v0 =	vmul.f32 v2, v0;
	_ =	sdelay $0x1  }
0x167: {  	v0 =	vmul.f32 v0, v1;
	_ =	sdelay $0x1  }
0x168: {  	(xrf2) =	vadd.scan.msk.f32 $0xffff, v0;
	_ =	sdelay $0x9  }
0x169: {  	v0, _, _ =	vpop (xrf2)  }
0x16a: {  	(v2sf) =	vpush v0, $0xF;
	_ =	sdelay $0xe  }
0x16b: {  	s29 =	spop (v2sf)  }
0x16c: {  	s2 =	smul.f32 $3.051757810e-05, s29;
	_ =	sdelay $0x1  }
0x16d: {  	v63 =	vmov s2  }
0x16e: {  	s30 =	simm.s32 $0x0;
	s31 =	simm.s32 $0x1300;
	[tilespmem:$0x1300] =	vst v63  }
0x16f: {  	[hbm4b:s1+s30] =	stream.linear.scatter [tilespmem:s31], [sflag:$0x4], $0x80, $0x38;
	[tilespmem:$0x15A0] =	vst v63  }
0x170: {  	_ =	swait.ge [sflag:s3], $0x80  }
0x171: {  	[sflag:s3] =	ssyncset.done $0x0  }
0x172: {  	[sflag:s3] =	ssyncadd.s32 $0xFFFFFF80  }
0x173: {  	_ =	sfence.sel $0x180000  }
0x174: {  	[bflag:$0x0] =	sbarrier.arrive $0xFFFF  }
0x175: {  	_ =	strace $0x90000047  }
0x176: {  	s0 =	sadd.s32 $0x100000, s0;
	[bflag:$0x2] =	sbarrier.arrive $0xFFFF  }
0x177: {  	[sflag:s0] =	ssyncadd.tile.s32 $0x1;
	_ =	shalt  }
.Lfunc_end2:
_tile_overlayer_lowered:
.L_overlay_start_2:
0x178: {  	(tag) =	ssettag $0x2  }
0x179: {  	s0 =	rddreg [dreg:$0x0];
	s2 =	stileid.u32  }
0x17a: {  	s1 =	rddreg [dreg:$0x1];
	p0 =	sne.s32 s2, $0x0  }
0x17b: {  	s3 =	rddreg [dreg:$0x2];
	[bflag:$0x3] =	sbarrier.arrive $0xFFFF;
	s2 =	simm.s32 @!p0 $0x1C04  }
0x17c: {  	[timem:s3], [sflag:s2] =	dma.local @!p0 [hbm:s0], s1  }
0x17d: {  	s0 =	simm.s32 @!p0 $0x4  }
0x17e: {  	_ =	swait.ge @!p0 [sflag:s0], s1  }
0x17f: {  	s1 =	ssub.s32 @!p0 $0x0, s1;
	[sflag:s0] =	ssyncset.done @!p0 $0x0  }
0x180: {  	[sflag:s0] =	ssyncadd.s32 @!p0 s1  }
0x181: {  	[bflag:$0x3] =	sbarrier.arrive $0xFFFF  }
0x182: {  	_ =	shalt  }

</sc_bundles>
